<compile_context>
chip_gen: v7x
topology: tpu7x:2x2x1
jax: 0.10.2.dev20260603
libtpu: 0.0.44.dev20260713+nightly
codegen_flags: <defaults>
</compile_context>

<pallas_src>
import jax
import jax.numpy as jnp
from jax import lax
from jax.experimental import pallas as pl
from jax.experimental.pallas import tpu as pltpu
from jax.experimental.pallas import tpu_sc as plsc

_B = 16384
_H = 20
_D = 32
_V = 1000000
_NW = 32
_NSTRIPE = _V // 128
_VTAIL = _NSTRIPE * 128
_SAMPLES_PER_W = _B // _NW
_CHUNK = 128
_IDX_PER_CHUNK = _CHUNK * _H
_GATHER = 128
_NGATHER = _IDX_PER_CHUNK // _GATHER
_NCHUNK = _SAMPLES_PER_W // _CHUNK


def _relay_body(t1_hbm, tail_hbm, relay_hbm, buf0, buf1, tbuf0, tbuf1,
                sem0, sem1, osem0, osem1, tailb):
    wid = lax.axis_index("s") * 2 + lax.axis_index("c")
    nmine = (_NSTRIPE - wid + _NW - 1) // _NW
    iv16 = lax.iota(jnp.int32, 16)
    bufs = (buf0, buf1)
    tbufs = (tbuf0, tbuf1)
    sems = (sem0, sem1)
    osems = (osem0, osem1)

    def in_copy(k, slot):
        sg = wid + k * _NW
        return pltpu.make_async_copy(
            t1_hbm.at[:, pl.ds(sg * 128, 128)], bufs[slot], sems[slot]
        )

    def out_copy(k, slot):
        sg = wid + k * _NW
        return pltpu.make_async_copy(
            tbufs[slot], relay_hbm.at[pl.ds(sg * 4096, 4096)], osems[slot]
        )

    iv16b = iv16 + 16

    def transpose(slot):
        buf = bufs[slot]
        tbuf = tbufs[slot]

        @plsc.parallel_loop(0, 128, step=1, unroll=8,
                            carry=jnp.zeros((16,), jnp.int32))
        def _(r, rc):
            lo = plsc.load_gather(buf, [iv16, rc])
            hi = plsc.load_gather(buf, [iv16b, rc])
            tbuf[pl.ds(r * 32, 16)] = lo
            tbuf[pl.ds(r * 32 + 16, 16)] = hi
            return rc + 1

    @pl.when(nmine > 0)
    def _():
        in_copy(0, 0).start()

    def pair_body(k2, _):
        k0 = k2 * 2
        for b in range(2):
            k = k0 + b

            @pl.when(k < nmine)
            def _():
                @pl.when(k + 1 < nmine)
                def _():
                    in_copy(k + 1, 1 - b).start()

                in_copy(k, b).wait()

                @pl.when(k >= 2)
                def _():
                    out_copy(k - 2, b).wait()

                transpose(b)
                out_copy(k, b).start()

        return 0

    lax.fori_loop(0, (nmine + 1) // 2, pair_body, 0)

    out_copy(0, 0).wait()
    out_copy(1, 1).wait()

    @pl.when(wid == _NW - 1)
    def _():
        pltpu.sync_copy(tail_hbm, tailb)
        pltpu.sync_copy(tailb, relay_hbm.at[pl.ds(_VTAIL * _D, (_V - _VTAIL) * _D)])


def _gather_body(idx_hbm, table_hbm, out_hbm, idx_v, rows_v, out_v, sem):
    wid = lax.axis_index("s") * 2 + lax.axis_index("c")
    base = wid * _SAMPLES_PER_W

    def chunk_body(ci, _):
        idx_base = (base + ci * _CHUNK) * _H
        pltpu.sync_copy(idx_hbm.at[pl.ds(idx_base, _IDX_PER_CHUNK)], idx_v)
        for g in range(_NGATHER):
            pltpu.async_copy(
                table_hbm.at[idx_v.at[pl.ds(g * _GATHER, _GATHER)]],
                rows_v.at[pl.ds(g * _GATHER, _GATHER), :],
                sem,
            )
        for g in range(_NGATHER):
            pltpu.make_async_copy(
                table_hbm.at[idx_v.at[pl.ds(g * _GATHER, _GATHER)]],
                rows_v.at[pl.ds(g * _GATHER, _GATHER), :],
                sem,
            ).wait()

        def sample_body(s, _):
            r0 = s * _H
            acc_lo = rows_v[r0, 0:16]
            acc_hi = rows_v[r0, 16:32]
            for j in range(1, _H):
                acc_lo = acc_lo + rows_v[r0 + j, 0:16]
                acc_hi = acc_hi + rows_v[r0 + j, 16:32]
            out_v[ci * _CHUNK + s, 0:16] = acc_lo
            out_v[ci * _CHUNK + s, 16:32] = acc_hi
            return 0

        lax.fori_loop(0, _CHUNK, sample_body, 0)
        return 0

    lax.fori_loop(0, _NCHUNK, chunk_body, 0)
    pltpu.sync_copy(out_v, out_hbm.at[pl.ds(base, _SAMPLES_PER_W), :])


@jax.jit
def kernel(indices, table):
    idx_flat = indices.astype(jnp.int32).reshape(_B * _H)
    mesh = plsc.VectorSubcoreMesh(core_axis_name="c", subcore_axis_name="s")

    t1 = jnp.transpose(table)
    tail = table[_VTAIL:].reshape((_V - _VTAIL) * _D)

    relay1d = pl.kernel(
        _relay_body,
        out_type=jax.ShapeDtypeStruct((_V * _D,), jnp.float32),
        mesh=mesh,
        scratch_types=[
            pltpu.VMEM((_D, 128), jnp.float32),
            pltpu.VMEM((_D, 128), jnp.float32),
            pltpu.VMEM((4096,), jnp.float32),
            pltpu.VMEM((4096,), jnp.float32),
            pltpu.SemaphoreType.DMA,
            pltpu.SemaphoreType.DMA,
            pltpu.SemaphoreType.DMA,
            pltpu.SemaphoreType.DMA,
            pltpu.VMEM(((_V - _VTAIL) * _D,), jnp.float32),
        ],
        compiler_params=pltpu.CompilerParams(needs_layout_passes=False),
    )(t1, tail)

    table_rm = relay1d.reshape(_V, _D)

    f = pl.kernel(
        _gather_body,
        out_type=jax.ShapeDtypeStruct((_B, _D), jnp.float32),
        mesh=mesh,
        scratch_types=[
            pltpu.VMEM((_IDX_PER_CHUNK,), jnp.int32),
            pltpu.VMEM((_IDX_PER_CHUNK, _D), jnp.float32),
            pltpu.VMEM((_SAMPLES_PER_W, _D), jnp.float32),
            pltpu.SemaphoreType.DMA,
        ],
        compiler_params=pltpu.CompilerParams(use_tc_tiling_on_sc=False),
    )
    return f(idx_flat, table_rm)

# --- scband reference (transcript-rebuilt; emitter-appended) ---
"""Pipeline reference for scband-base-embedding-51247549776292 (READ-ONLY COPY).

The authoritative reference and input builder live on the scoring server;
editing this copy changes nothing except your own understanding.
"""

import jax, jax.numpy as jnp
import numpy as np

NUM_EMBEDDINGS = 1000000
EMBED_DIM = 32
BATCH = 16384
HIST = 20

def setup_inputs(seed: int = 0) -> dict:
    key = jax.random.key(seed)
    k1, k2 = jax.random.split(key)
    indices = jax.random.randint(k1, (BATCH, HIST), 0, NUM_EMBEDDINGS, dtype=jnp.int64)
    table = jax.random.normal(k2, (NUM_EMBEDDINGS, EMBED_DIM), dtype=jnp.float32) * 0.02
    return {"indices": indices, "table": table}

def reference(indices, table):
    # Grouped embedding-bag style lookup: gather rows then sum-pool over the
    # jagged (here fixed-length) history dimension per sample, as a concrete
    # realization of BaseEmbedding.forward(KeyedJaggedTensor) -> Tensor.
    gathered = jnp.take(table, indices, axis=0)        # [B, L, D]
    pooled = jnp.sum(gathered, axis=1)                  # [B, D]
    return pooled

if __name__ == "__main__":
    import jax
    _d = setup_inputs()
    print(jax.jit(kernel)(*tuple(_d.values())))

</pallas_src>

<mosaic_0001>
#map = affine_map<(d0, d1) -> (0)>
#map1 = affine_map<(d0, d1) -> (0, 0)>
module attributes {stable_mosaic.version = 14 : i64} {
  func.func @_gather_body(%arg0: i32, %arg1: i32, %arg2: memref<327680xi32, #tpu.memory_space<hbm>>, %arg3: memref<1000000x32xf32, #tpu.memory_space<hbm>>, %arg4: memref<16384x32xf32, #tpu.memory_space<hbm>>, %arg5: memref<2560xi32, #tpu.memory_space<vmem>>, %arg6: memref<2560x32xf32, #tpu.memory_space<vmem>>, %arg7: memref<512x32xf32, #tpu.memory_space<vmem>>, %arg8: memref<!tpu.dma_semaphore, #tpu.memory_space<semaphore_mem>>) attributes {dimension_semantics = [#tpu.dimension_semantics<core_parallel>, #tpu.dimension_semantics<subcore_parallel>], iteration_bounds = array<i64: 2, 16>, scalar_prefetch = 0 : i64, scratch_operands = 4 : i64, tpu.core_type = #tpu.core_type<sc_vector_subcore>, window_params = [{transform_indices = #map}, {transform_indices = #map1}, {transform_indices = #map1}]} {
    %mul3A = arith.constant 2 : i32
    %mul3A_0 = arith.muli %arg1, %mul3A : i32
    %add3A = arith.addi %mul3A_0, %arg0 : i32
    %mul3A_1 = arith.constant 512 : i32
    %mul3A_2 = arith.muli %add3A, %mul3A_1 : i32
    %scan3A = arith.constant 0 : i32
    %scan3A_3 = arith.constant 0 : i32
    %scan3A_4 = arith.constant 4 : i32
    %scan3A_5 = arith.addi %scan3A_3, %scan3A_4 : i32
    %scan3A_6 = arith.constant 1 : i32
    %scan3A_7 = scf.for %scan3A_9 = %scan3A_3 to %scan3A_5 step %scan3A_6 iter_args(%scan3A_10 = %scan3A) -> (i32)  : i32 {
      %mul3A_11 = arith.constant 128 : i32
      %mul3A_12 = arith.muli %scan3A_9, %mul3A_11 : i32
      %add3A_13 = arith.addi %mul3A_2, %mul3A_12 : i32
      %mul3A_14 = arith.constant 20 : i32
      %mul3A_15 = arith.muli %add3A_13, %mul3A_14 : i32
      "tpu.region"() ({
        %run_scoped3A = tpu.sem_alloc : memref<!tpu.dma_semaphore, #tpu.memory_space<semaphore_mem>>
        %dma_start3A_342 = tpu.memref_slice %arg2[%mul3A_15] : memref<327680xi32, #tpu.memory_space<hbm>> -> memref<2560xi32, #tpu.memory_space<hbm>>
        %dma_start3A_343 = tpu.memref_slice %arg2[%mul3A_15] : memref<327680xi32, #tpu.memory_space<hbm>> -> memref<2560xi32, #tpu.memory_space<hbm>>
        tpu.enqueue_dma source(%dma_start3A_343 : memref<2560xi32, #tpu.memory_space<hbm>>) target(%arg5 : memref<2560xi32, #tpu.memory_space<vmem>>) target_semaphore(%run_scoped3A : memref<!tpu.dma_semaphore, #tpu.memory_space<semaphore_mem>>)
        %dma_wait3A_344 = tpu.memref_slice %arg2[%mul3A_15] : memref<327680xi32, #tpu.memory_space<hbm>> -> memref<2560xi32, #tpu.memory_space<hbm>>
        %dma_wait3A_345 = tpu.memref_slice %arg2[%mul3A_15] : memref<327680xi32, #tpu.memory_space<hbm>> -> memref<2560xi32, #tpu.memory_space<hbm>>
        tpu.wait_dma2 semaphore(%run_scoped3A : memref<!tpu.dma_semaphore, #tpu.memory_space<semaphore_mem>>) src(%dma_wait3A_345 : memref<2560xi32, #tpu.memory_space<hbm>>) dst(%arg5 : memref<2560xi32, #tpu.memory_space<vmem>>)
        tpu.yield
      }) : () -> ()
      %dma_start3A = arith.constant 0 : i32
      %dma_start3A_16 = arith.constant 0 : i32
      %dma_start3A_17 = tpu.memref_slice %arg6[%dma_start3A, %dma_start3A_16] : memref<2560x32xf32, #tpu.memory_space<vmem>> -> memref<128x32xf32, #tpu.memory_space<vmem>>
      %dma_start3A_18 = arith.constant 0 : i32
      %dma_start3A_19 = tpu.memref_slice %arg5[%dma_start3A_18] : memref<2560xi32, #tpu.memory_space<vmem>> -> memref<128xi32, #tpu.memory_space<vmem>>
      %dma_start3A_20 = arith.constant 0 : i32
      %dma_start3A_21 = arith.constant 0 : i32
      %dma_start3A_22 = tpu.memref_slice %arg3[%dma_start3A_20, %dma_start3A_21] : memref<1000000x32xf32, #tpu.memory_space<hbm>> -> memref<1000000x32xf32, #tpu.memory_space<hbm>>
      tpu.enqueue_indirect_dma source(%dma_start3A_22 : memref<1000000x32xf32, #tpu.memory_space<hbm>>) target(%dma_start3A_17 : memref<128x32xf32, #tpu.memory_space<vmem>>) offsets(%dma_start3A_19 : memref<128xi32, #tpu.memory_space<vmem>>) semaphore(%arg8 : memref<!tpu.dma_semaphore, #tpu.memory_space<semaphore_mem>>)
      %dma_start3A_23 = arith.constant 128 : i32
      %dma_start3A_24 = arith.constant 0 : i32
      %dma_start3A_25 = tpu.memref_slice %arg6[%dma_start3A_23, %dma_start3A_24] : memref<2560x32xf32, #tpu.memory_space<vmem>> -> memref<128x32xf32, #tpu.memory_space<vmem>>
      %dma_start3A_26 = arith.constant 128 : i32
      %dma_start3A_27 = tpu.memref_slice %arg5[%dma_start3A_26] : memref<2560xi32, #tpu.memory_space<vmem>> -> memref<128xi32, #tpu.memory_space<vmem>>
      %dma_start3A_28 = arith.constant 0 : i32
      %dma_start3A_29 = arith.constant 0 : i32
      %dma_start3A_30 = tpu.memref_slice %arg3[%dma_start3A_28, %dma_start3A_29] : memref<1000000x32xf32, #tpu.memory_space<hbm>> -> memref<1000000x32xf32, #tpu.memory_space<hbm>>
      tpu.enqueue_indirect_dma source(%dma_start3A_30 : memref<1000000x32xf32, #tpu.memory_space<hbm>>) target(%dma_start3A_25 : memref<128x32xf32, #tpu.memory_space<vmem>>) offsets(%dma_start3A_27 : memref<128xi32, #tpu.memory_space<vmem>>) semaphore(%arg8 : memref<!tpu.dma_semaphore, #tpu.memory_space<semaphore_mem>>)
      %dma_start3A_31 = arith.constant 256 : i32
      %dma_start3A_32 = arith.constant 0 : i32
      %dma_start3A_33 = tpu.memref_slice %arg6[%dma_start3A_31, %dma_start3A_32] : memref<2560x32xf32, #tpu.memory_space<vmem>> -> memref<128x32xf32, #tpu.memory_space<vmem>>
      %dma_start3A_34 = arith.constant 256 : i32
      %dma_start3A_35 = tpu.memref_slice %arg5[%dma_start3A_34] : memref<2560xi32, #tpu.memory_space<vmem>> -> memref<128xi32, #tpu.memory_space<vmem>>
      %dma_start3A_36 = arith.constant 0 : i32
      %dma_start3A_37 = arith.constant 0 : i32
      %dma_start3A_38 = tpu.memref_slice %arg3[%dma_start3A_36, %dma_start3A_37] : memref<1000000x32xf32, #tpu.memory_space<hbm>> -> memref<1000000x32xf32, #tpu.memory_space<hbm>>
      tpu.enqueue_indirect_dma source(%dma_start3A_38 : memref<1000000x32xf32, #tpu.memory_space<hbm>>) target(%dma_start3A_33 : memref<128x32xf32, #tpu.memory_space<vmem>>) offsets(%dma_start3A_35 : memref<128xi32, #tpu.memory_space<vmem>>) semaphore(%arg8 : memref<!tpu.dma_semaphore, #tpu.memory_space<semaphore_mem>>)
      %dma_start3A_39 = arith.constant 384 : i32
      %dma_start3A_40 = arith.constant 0 : i32
      %dma_start3A_41 = tpu.memref_slice %arg6[%dma_start3A_39, %dma_start3A_40] : memref<2560x32xf32, #tpu.memory_space<vmem>> -> memref<128x32xf32, #tpu.memory_space<vmem>>
      %dma_start3A_42 = arith.constant 384 : i32
      %dma_start3A_43 = tpu.memref_slice %arg5[%dma_start3A_42] : memref<2560xi32, #tpu.memory_space<vmem>> -> memref<128xi32, #tpu.memory_space<vmem>>
      %dma_start3A_44 = arith.constant 0 : i32
      %dma_start3A_45 = arith.constant 0 : i32
      %dma_start3A_46 = tpu.memref_slice %arg3[%dma_start3A_44, %dma_start3A_45] : memref<1000000x32xf32, #tpu.memory_space<hbm>> -> memref<1000000x32xf32, #tpu.memory_space<hbm>>
      tpu.enqueue_indirect_dma source(%dma_start3A_46 : memref<1000000x32xf32, #tpu.memory_space<hbm>>) target(%dma_start3A_41 : memref<128x32xf32, #tpu.memory_space<vmem>>) offsets(%dma_start3A_43 : memref<128xi32, #tpu.memory_space<vmem>>) semaphore(%arg8 : memref<!tpu.dma_semaphore, #tpu.memory_space<semaphore_mem>>)
      %dma_start3A_47 = arith.constant 512 : i32
      %dma_start3A_48 = arith.constant 0 : i32
      %dma_start3A_49 = tpu.memref_slice %arg6[%dma_start3A_47, %dma_start3A_48] : memref<2560x32xf32, #tpu.memory_space<vmem>> -> memref<128x32xf32, #tpu.memory_space<vmem>>
      %dma_start3A_50 = arith.constant 512 : i32
      %dma_start3A_51 = tpu.memref_slice %arg5[%dma_start3A_50] : memref<2560xi32, #tpu.memory_space<vmem>> -> memref<128xi32, #tpu.memory_space<vmem>>
      %dma_start3A_52 = arith.constant 0 : i32
      %dma_start3A_53 = arith.constant 0 : i32
      %dma_start3A_54 = tpu.memref_slice %arg3[%dma_start3A_52, %dma_start3A_53] : memref<1000000x32xf32, #tpu.memory_space<hbm>> -> memref<1000000x32xf32, #tpu.memory_space<hbm>>
      tpu.enqueue_indirect_dma source(%dma_start3A_54 : memref<1000000x32xf32, #tpu.memory_space<hbm>>) target(%dma_start3A_49 : memref<128x32xf32, #tpu.memory_space<vmem>>) offsets(%dma_start3A_51 : memref<128xi32, #tpu.memory_space<vmem>>) semaphore(%arg8 : memref<!tpu.dma_semaphore, #tpu.memory_space<semaphore_mem>>)
      %dma_start3A_55 = arith.constant 640 : i32
      %dma_start3A_56 = arith.constant 0 : i32
      %dma_start3A_57 = tpu.memref_slice %arg6[%dma_start3A_55, %dma_start3A_56] : memref<2560x32xf32, #tpu.memory_space<vmem>> -> memref<128x32xf32, #tpu.memory_space<vmem>>
      %dma_start3A_58 = arith.constant 640 : i32
      %dma_start3A_59 = tpu.memref_slice %arg5[%dma_start3A_58] : memref<2560xi32, #tpu.memory_space<vmem>> -> memref<128xi32, #tpu.memory_space<vmem>>
      %dma_start3A_60 = arith.constant 0 : i32
      %dma_start3A_61 = arith.constant 0 : i32
      %dma_start3A_62 = tpu.memref_slice %arg3[%dma_start3A_60, %dma_start3A_61] : memref<1000000x32xf32, #tpu.memory_space<hbm>> -> memref<1000000x32xf32, #tpu.memory_space<hbm>>
      tpu.enqueue_indirect_dma source(%dma_start3A_62 : memref<1000000x32xf32, #tpu.memory_space<hbm>>) target(%dma_start3A_57 : memref<128x32xf32, #tpu.memory_space<vmem>>) offsets(%dma_start3A_59 : memref<128xi32, #tpu.memory_space<vmem>>) semaphore(%arg8 : memref<!tpu.dma_semaphore, #tpu.memory_space<semaphore_mem>>)
      %dma_start3A_63 = arith.constant 768 : i32
      %dma_start3A_64 = arith.constant 0 : i32
      %dma_start3A_65 = tpu.memref_slice %arg6[%dma_start3A_63, %dma_start3A_64] : memref<2560x32xf32, #tpu.memory_space<vmem>> -> memref<128x32xf32, #tpu.memory_space<vmem>>
      %dma_start3A_66 = arith.constant 768 : i32
      %dma_start3A_67 = tpu.memref_slice %arg5[%dma_start3A_66] : memref<2560xi32, #tpu.memory_space<vmem>> -> memref<128xi32, #tpu.memory_space<vmem>>
      %dma_start3A_68 = arith.constant 0 : i32
      %dma_start3A_69 = arith.constant 0 : i32
      %dma_start3A_70 = tpu.memref_slice %arg3[%dma_start3A_68, %dma_start3A_69] : memref<1000000x32xf32, #tpu.memory_space<hbm>> -> memref<1000000x32xf32, #tpu.memory_space<hbm>>
      tpu.enqueue_indirect_dma source(%dma_start3A_70 : memref<1000000x32xf32, #tpu.memory_space<hbm>>) target(%dma_start3A_65 : memref<128x32xf32, #tpu.memory_space<vmem>>) offsets(%dma_start3A_67 : memref<128xi32, #tpu.memory_space<vmem>>) semaphore(%arg8 : memref<!tpu.dma_semaphore, #tpu.memory_space<semaphore_mem>>)
      %dma_start3A_71 = arith.constant 896 : i32
      %dma_start3A_72 = arith.constant 0 : i32
      %dma_start3A_73 = tpu.memref_slice %arg6[%dma_start3A_71, %dma_start3A_72] : memref<2560x32xf32, #tpu.memory_space<vmem>> -> memref<128x32xf32, #tpu.memory_space<vmem>>
      %dma_start3A_74 = arith.constant 896 : i32
      %dma_start3A_75 = tpu.memref_slice %arg5[%dma_start3A_74] : memref<2560xi32, #tpu.memory_space<vmem>> -> memref<128xi32, #tpu.memory_space<vmem>>
      %dma_start3A_76 = arith.constant 0 : i32
      %dma_start3A_77 = arith.constant 0 : i32
      %dma_start3A_78 = tpu.memref_slice %arg3[%dma_start3A_76, %dma_start3A_77] : memref<1000000x32xf32, #tpu.memory_space<hbm>> -> memref<1000000x32xf32, #tpu.memory_space<hbm>>
      tpu.enqueue_indirect_dma source(%dma_start3A_78 : memref<1000000x32xf32, #tpu.memory_space<hbm>>) target(%dma_start3A_73 : memref<128x32xf32, #tpu.memory_space<vmem>>) offsets(%dma_start3A_75 : memref<128xi32, #tpu.memory_space<vmem>>) semaphore(%arg8 : memref<!tpu.dma_semaphore, #tpu.memory_space<semaphore_mem>>)
      %dma_start3A_79 = arith.constant 1024 : i32
      %dma_start3A_80 = arith.constant 0 : i32
      %dma_start3A_81 = tpu.memref_slice %arg6[%dma_start3A_79, %dma_start3A_80] : memref<2560x32xf32, #tpu.memory_space<vmem>> -> memref<128x32xf32, #tpu.memory_space<vmem>>
      %dma_start3A_82 = arith.constant 1024 : i32
      %dma_start3A_83 = tpu.memref_slice %arg5[%dma_start3A_82] : memref<2560xi32, #tpu.memory_space<vmem>> -> memref<128xi32, #tpu.memory_space<vmem>>
      %dma_start3A_84 = arith.constant 0 : i32
      %dma_start3A_85 = arith.constant 0 : i32
      %dma_start3A_86 = tpu.memref_slice %arg3[%dma_start3A_84, %dma_start3A_85] : memref<1000000x32xf32, #tpu.memory_space<hbm>> -> memref<1000000x32xf32, #tpu.memory_space<hbm>>
      tpu.enqueue_indirect_dma source(%dma_start3A_86 : memref<1000000x32xf32, #tpu.memory_space<hbm>>) target(%dma_start3A_81 : memref<128x32xf32, #tpu.memory_space<vmem>>) offsets(%dma_start3A_83 : memref<128xi32, #tpu.memory_space<vmem>>) semaphore(%arg8 : memref<!tpu.dma_semaphore, #tpu.memory_space<semaphore_mem>>)
      %dma_start3A_87 = arith.constant 1152 : i32
      %dma_start3A_88 = arith.constant 0 : i32
      %dma_start3A_89 = tpu.memref_slice %arg6[%dma_start3A_87, %dma_start3A_88] : memref<2560x32xf32, #tpu.memory_space<vmem>> -> memref<128x32xf32, #tpu.memory_space<vmem>>
      %dma_start3A_90 = arith.constant 1152 : i32
      %dma_start3A_91 = tpu.memref_slice %arg5[%dma_start3A_90] : memref<2560xi32, #tpu.memory_space<vmem>> -> memref<128xi32, #tpu.memory_space<vmem>>
      %dma_start3A_92 = arith.constant 0 : i32
      %dma_start3A_93 = arith.constant 0 : i32
      %dma_start3A_94 = tpu.memref_slice %arg3[%dma_start3A_92, %dma_start3A_93] : memref<1000000x32xf32, #tpu.memory_space<hbm>> -> memref<1000000x32xf32, #tpu.memory_space<hbm>>
      tpu.enqueue_indirect_dma source(%dma_start3A_94 : memref<1000000x32xf32, #tpu.memory_space<hbm>>) target(%dma_start3A_89 : memref<128x32xf32, #tpu.memory_space<vmem>>) offsets(%dma_start3A_91 : memref<128xi32, #tpu.memory_space<vmem>>) semaphore(%arg8 : memref<!tpu.dma_semaphore, #tpu.memory_space<semaphore_mem>>)
      %dma_start3A_95 = arith.constant 1280 : i32
      %dma_start3A_96 = arith.constant 0 : i32
      %dma_start3A_97 = tpu.memref_slice %arg6[%dma_start3A_95, %dma_start3A_96] : memref<2560x32xf32, #tpu.memory_space<vmem>> -> memref<128x32xf32, #tpu.memory_space<vmem>>
      %dma_start3A_98 = arith.constant 1280 : i32
      %dma_start3A_99 = tpu.memref_slice %arg5[%dma_start3A_98] : memref<2560xi32, #tpu.memory_space<vmem>> -> memref<128xi32, #tpu.memory_space<vmem>>
      %dma_start3A_100 = arith.constant 0 : i32
      %dma_start3A_101 = arith.constant 0 : i32
      %dma_start3A_102 = tpu.memref_slice %arg3[%dma_start3A_100, %dma_start3A_101] : memref<1000000x32xf32, #tpu.memory_space<hbm>> -> memref<1000000x32xf32, #tpu.memory_space<hbm>>
      tpu.enqueue_indirect_dma source(%dma_start3A_102 : memref<1000000x32xf32, #tpu.memory_space<hbm>>) target(%dma_start3A_97 : memref<128x32xf32, #tpu.memory_space<vmem>>) offsets(%dma_start3A_99 : memref<128xi32, #tpu.memory_space<vmem>>) semaphore(%arg8 : memref<!tpu.dma_semaphore, #tpu.memory_space<semaphore_mem>>)
      %dma_start3A_103 = arith.constant 1408 : i32
      %dma_start3A_104 = arith.constant 0 : i32
      %dma_start3A_105 = tpu.memref_slice %arg6[%dma_start3A_103, %dma_start3A_104] : memref<2560x32xf32, #tpu.memory_space<vmem>> -> memref<128x32xf32, #tpu.memory_space<vmem>>
      %dma_start3A_106 = arith.constant 1408 : i32
      %dma_start3A_107 = tpu.memref_slice %arg5[%dma_start3A_106] : memref<2560xi32, #tpu.memory_space<vmem>> -> memref<128xi32, #tpu.memory_space<vmem>>
      %dma_start3A_108 = arith.constant 0 : i32
      %dma_start3A_109 = arith.constant 0 : i32
      %dma_start3A_110 = tpu.memref_slice %arg3[%dma_start3A_108, %dma_start3A_109] : memref<1000000x32xf32, #tpu.memory_space<hbm>> -> memref<1000000x32xf32, #tpu.memory_space<hbm>>
      tpu.enqueue_indirect_dma source(%dma_start3A_110 : memref<1000000x32xf32, #tpu.memory_space<hbm>>) target(%dma_start3A_105 : memref<128x32xf32, #tpu.memory_space<vmem>>) offsets(%dma_start3A_107 : memref<128xi32, #tpu.memory_space<vmem>>) semaphore(%arg8 : memref<!tpu.dma_semaphore, #tpu.memory_space<semaphore_mem>>)
      %dma_start3A_111 = arith.constant 1536 : i32
      %dma_start3A_112 = arith.constant 0 : i32
      %dma_start3A_113 = tpu.memref_slice %arg6[%dma_start3A_111, %dma_start3A_112] : memref<2560x32xf32, #tpu.memory_space<vmem>> -> memref<128x32xf32, #tpu.memory_space<vmem>>
      %dma_start3A_114 = arith.constant 1536 : i32
      %dma_start3A_115 = tpu.memref_slice %arg5[%dma_start3A_114] : memref<2560xi32, #tpu.memory_space<vmem>> -> memref<128xi32, #tpu.memory_space<vmem>>
      %dma_start3A_116 = arith.constant 0 : i32
      %dma_start3A_117 = arith.constant 0 : i32
      %dma_start3A_118 = tpu.memref_slice %arg3[%dma_start3A_116, %dma_start3A_117] : memref<1000000x32xf32, #tpu.memory_space<hbm>> -> memref<1000000x32xf32, #tpu.memory_space<hbm>>
      tpu.enqueue_indirect_dma source(%dma_start3A_118 : memref<1000000x32xf32, #tpu.memory_space<hbm>>) target(%dma_start3A_113 : memref<128x32xf32, #tpu.memory_space<vmem>>) offsets(%dma_start3A_115 : memref<128xi32, #tpu.memory_space<vmem>>) semaphore(%arg8 : memref<!tpu.dma_semaphore, #tpu.memory_space<semaphore_mem>>)
      %dma_start3A_119 = arith.constant 1664 : i32
      %dma_start3A_120 = arith.constant 0 : i32
      %dma_start3A_121 = tpu.memref_slice %arg6[%dma_start3A_119, %dma_start3A_120] : memref<2560x32xf32, #tpu.memory_space<vmem>> -> memref<128x32xf32, #tpu.memory_space<vmem>>
      %dma_start3A_122 = arith.constant 1664 : i32
      %dma_start3A_123 = tpu.memref_slice %arg5[%dma_start3A_122] : memref<2560xi32, #tpu.memory_space<vmem>> -> memref<128xi32, #tpu.memory_space<vmem>>
      %dma_start3A_124 = arith.constant 0 : i32
      %dma_start3A_125 = arith.constant 0 : i32
      %dma_start3A_126 = tpu.memref_slice %arg3[%dma_start3A_124, %dma_start3A_125] : memref<1000000x32xf32, #tpu.memory_space<hbm>> -> memref<1000000x32xf32, #tpu.memory_space<hbm>>
      tpu.enqueue_indirect_dma source(%dma_start3A_126 : memref<1000000x32xf32, #tpu.memory_space<hbm>>) target(%dma_start3A_121 : memref<128x32xf32, #tpu.memory_space<vmem>>) offsets(%dma_start3A_123 : memref<128xi32, #tpu.memory_space<vmem>>) semaphore(%arg8 : memref<!tpu.dma_semaphore, #tpu.memory_space<semaphore_mem>>)
      %dma_start3A_127 = arith.constant 1792 : i32
      %dma_start3A_128 = arith.constant 0 : i32
      %dma_start3A_129 = tpu.memref_slice %arg6[%dma_start3A_127, %dma_start3A_128] : memref<2560x32xf32, #tpu.memory_space<vmem>> -> memref<128x32xf32, #tpu.memory_space<vmem>>
      %dma_start3A_130 = arith.constant 1792 : i32
      %dma_start3A_131 = tpu.memref_slice %arg5[%dma_start3A_130] : memref<2560xi32, #tpu.memory_space<vmem>> -> memref<128xi32, #tpu.memory_space<vmem>>
      %dma_start3A_132 = arith.constant 0 : i32
      %dma_start3A_133 = arith.constant 0 : i32
      %dma_start3A_134 = tpu.memref_slice %arg3[%dma_start3A_132, %dma_start3A_133] : memref<1000000x32xf32, #tpu.memory_space<hbm>> -> memref<1000000x32xf32, #tpu.memory_space<hbm>>
      tpu.enqueue_indirect_dma source(%dma_start3A_134 : memref<1000000x32xf32, #tpu.memory_space<hbm>>) target(%dma_start3A_129 : memref<128x32xf32, #tpu.memory_space<vmem>>) offsets(%dma_start3A_131 : memref<128xi32, #tpu.memory_space<vmem>>) semaphore(%arg8 : memref<!tpu.dma_semaphore, #tpu.memory_space<semaphore_mem>>)
      %dma_start3A_135 = arith.constant 1920 : i32
      %dma_start3A_136 = arith.constant 0 : i32
      %dma_start3A_137 = tpu.memref_slice %arg6[%dma_start3A_135, %dma_start3A_136] : memref<2560x32xf32, #tpu.memory_space<vmem>> -> memref<128x32xf32, #tpu.memory_space<vmem>>
      %dma_start3A_138 = arith.constant 1920 : i32
      %dma_start3A_139 = tpu.memref_slice %arg5[%dma_start3A_138] : memref<2560xi32, #tpu.memory_space<vmem>> -> memref<128xi32, #tpu.memory_space<vmem>>
      %dma_start3A_140 = arith.constant 0 : i32
      %dma_start3A_141 = arith.constant 0 : i32
      %dma_start3A_142 = tpu.memref_slice %arg3[%dma_start3A_140, %dma_start3A_141] : memref<1000000x32xf32, #tpu.memory_space<hbm>> -> memref<1000000x32xf32, #tpu.memory_space<hbm>>
      tpu.enqueue_indirect_dma source(%dma_start3A_142 : memref<1000000x32xf32, #tpu.memory_space<hbm>>) target(%dma_start3A_137 : memref<128x32xf32, #tpu.memory_space<vmem>>) offsets(%dma_start3A_139 : memref<128xi32, #tpu.memory_space<vmem>>) semaphore(%arg8 : memref<!tpu.dma_semaphore, #tpu.memory_space<semaphore_mem>>)
      %dma_start3A_143 = arith.constant 2048 : i32
      %dma_start3A_144 = arith.constant 0 : i32
      %dma_start3A_145 = tpu.memref_slice %arg6[%dma_start3A_143, %dma_start3A_144] : memref<2560x32xf32, #tpu.memory_space<vmem>> -> memref<128x32xf32, #tpu.memory_space<vmem>>
      %dma_start3A_146 = arith.constant 2048 : i32
      %dma_start3A_147 = tpu.memref_slice %arg5[%dma_start3A_146] : memref<2560xi32, #tpu.memory_space<vmem>> -> memref<128xi32, #tpu.memory_space<vmem>>
      %dma_start3A_148 = arith.constant 0 : i32
      %dma_start3A_149 = arith.constant 0 : i32
      %dma_start3A_150 = tpu.memref_slice %arg3[%dma_start3A_148, %dma_start3A_149] : memref<1000000x32xf32, #tpu.memory_space<hbm>> -> memref<1000000x32xf32, #tpu.memory_space<hbm>>
      tpu.enqueue_indirect_dma source(%dma_start3A_150 : memref<1000000x32xf32, #tpu.memory_space<hbm>>) target(%dma_start3A_145 : memref<128x32xf32, #tpu.memory_space<vmem>>) offsets(%dma_start3A_147 : memref<128xi32, #tpu.memory_space<vmem>>) semaphore(%arg8 : memref<!tpu.dma_semaphore, #tpu.memory_space<semaphore_mem>>)
      %dma_start3A_151 = arith.constant 2176 : i32
      %dma_start3A_152 = arith.constant 0 : i32
      %dma_start3A_153 = tpu.memref_slice %arg6[%dma_start3A_151, %dma_start3A_152] : memref<2560x32xf32, #tpu.memory_space<vmem>> -> memref<128x32xf32, #tpu.memory_space<vmem>>
      %dma_start3A_154 = arith.constant 2176 : i32
      %dma_start3A_155 = tpu.memref_slice %arg5[%dma_start3A_154] : memref<2560xi32, #tpu.memory_space<vmem>> -> memref<128xi32, #tpu.memory_space<vmem>>
      %dma_start3A_156 = arith.constant 0 : i32
      %dma_start3A_157 = arith.constant 0 : i32
      %dma_start3A_158 = tpu.memref_slice %arg3[%dma_start3A_156, %dma_start3A_157] : memref<1000000x32xf32, #tpu.memory_space<hbm>> -> memref<1000000x32xf32, #tpu.memory_space<hbm>>
      tpu.enqueue_indirect_dma source(%dma_start3A_158 : memref<1000000x32xf32, #tpu.memory_space<hbm>>) target(%dma_start3A_153 : memref<128x32xf32, #tpu.memory_space<vmem>>) offsets(%dma_start3A_155 : memref<128xi32, #tpu.memory_space<vmem>>) semaphore(%arg8 : memref<!tpu.dma_semaphore, #tpu.memory_space<semaphore_mem>>)
      %dma_start3A_159 = arith.constant 2304 : i32
      %dma_start3A_160 = arith.constant 0 : i32
      %dma_start3A_161 = tpu.memref_slice %arg6[%dma_start3A_159, %dma_start3A_160] : memref<2560x32xf32, #tpu.memory_space<vmem>> -> memref<128x32xf32, #tpu.memory_space<vmem>>
      %dma_start3A_162 = arith.constant 2304 : i32
      %dma_start3A_163 = tpu.memref_slice %arg5[%dma_start3A_162] : memref<2560xi32, #tpu.memory_space<vmem>> -> memref<128xi32, #tpu.memory_space<vmem>>
      %dma_start3A_164 = arith.constant 0 : i32
      %dma_start3A_165 = arith.constant 0 : i32
      %dma_start3A_166 = tpu.memref_slice %arg3[%dma_start3A_164, %dma_start3A_165] : memref<1000000x32xf32, #tpu.memory_space<hbm>> -> memref<1000000x32xf32, #tpu.memory_space<hbm>>
      tpu.enqueue_indirect_dma source(%dma_start3A_166 : memref<1000000x32xf32, #tpu.memory_space<hbm>>) target(%dma_start3A_161 : memref<128x32xf32, #tpu.memory_space<vmem>>) offsets(%dma_start3A_163 : memref<128xi32, #tpu.memory_space<vmem>>) semaphore(%arg8 : memref<!tpu.dma_semaphore, #tpu.memory_space<semaphore_mem>>)
      %dma_start3A_167 = arith.constant 2432 : i32
      %dma_start3A_168 = arith.constant 0 : i32
      %dma_start3A_169 = tpu.memref_slice %arg6[%dma_start3A_167, %dma_start3A_168] : memref<2560x32xf32, #tpu.memory_space<vmem>> -> memref<128x32xf32, #tpu.memory_space<vmem>>
      %dma_start3A_170 = arith.constant 2432 : i32
      %dma_start3A_171 = tpu.memref_slice %arg5[%dma_start3A_170] : memref<2560xi32, #tpu.memory_space<vmem>> -> memref<128xi32, #tpu.memory_space<vmem>>
      %dma_start3A_172 = arith.constant 0 : i32
      %dma_start3A_173 = arith.constant 0 : i32
      %dma_start3A_174 = tpu.memref_slice %arg3[%dma_start3A_172, %dma_start3A_173] : memref<1000000x32xf32, #tpu.memory_space<hbm>> -> memref<1000000x32xf32, #tpu.memory_space<hbm>>
      tpu.enqueue_indirect_dma source(%dma_start3A_174 : memref<1000000x32xf32, #tpu.memory_space<hbm>>) target(%dma_start3A_169 : memref<128x32xf32, #tpu.memory_space<vmem>>) offsets(%dma_start3A_171 : memref<128xi32, #tpu.memory_space<vmem>>) semaphore(%arg8 : memref<!tpu.dma_semaphore, #tpu.memory_space<semaphore_mem>>)
      %dma_wait3A = arith.constant 0 : i32
      %dma_wait3A_175 = arith.constant 0 : i32
      %dma_wait3A_176 = tpu.memref_slice %arg6[%dma_wait3A, %dma_wait3A_175] : memref<2560x32xf32, #tpu.memory_space<vmem>> -> memref<128x32xf32, #tpu.memory_space<vmem>>
      %dma_wait3A_177 = arith.constant 0 : i32
      %dma_wait3A_178 = tpu.memref_slice %arg5[%dma_wait3A_177] : memref<2560xi32, #tpu.memory_space<vmem>> -> memref<128xi32, #tpu.memory_space<vmem>>
      %dma_wait3A_179 = arith.constant 0 : i32
      %dma_wait3A_180 = arith.constant 0 : i32
      %dma_wait3A_181 = tpu.memref_slice %arg3[%dma_wait3A_179, %dma_wait3A_180] : memref<1000000x32xf32, #tpu.memory_space<hbm>> -> memref<1000000x32xf32, #tpu.memory_space<hbm>>
      tpu.wait_indirect_dma semaphore(%arg8 : memref<!tpu.dma_semaphore, #tpu.memory_space<semaphore_mem>>) src(%dma_wait3A_181 : memref<1000000x32xf32, #tpu.memory_space<hbm>>) dst(%dma_wait3A_176 : memref<128x32xf32, #tpu.memory_space<vmem>>)
      %dma_wait3A_182 = arith.constant 128 : i32
      %dma_wait3A_183 = arith.constant 0 : i32
      %dma_wait3A_184 = tpu.memref_slice %arg6[%dma_wait3A_182, %dma_wait3A_183] : memref<2560x32xf32, #tpu.memory_space<vmem>> -> memref<128x32xf32, #tpu.memory_space<vmem>>
      %dma_wait3A_185 = arith.constant 128 : i32
      %dma_wait3A_186 = tpu.memref_slice %arg5[%dma_wait3A_185] : memref<2560xi32, #tpu.memory_space<vmem>> -> memref<128xi32, #tpu.memory_space<vmem>>
      %dma_wait3A_187 = arith.constant 0 : i32
      %dma_wait3A_188 = arith.constant 0 : i32
      %dma_wait3A_189 = tpu.memref_slice %arg3[%dma_wait3A_187, %dma_wait3A_188] : memref<1000000x32xf32, #tpu.memory_space<hbm>> -> memref<1000000x32xf32, #tpu.memory_space<hbm>>
      tpu.wait_indirect_dma semaphore(%arg8 : memref<!tpu.dma_semaphore, #tpu.memory_space<semaphore_mem>>) src(%dma_wait3A_189 : memref<1000000x32xf32, #tpu.memory_space<hbm>>) dst(%dma_wait3A_184 : memref<128x32xf32, #tpu.memory_space<vmem>>)
      %dma_wait3A_190 = arith.constant 256 : i32
      %dma_wait3A_191 = arith.constant 0 : i32
      %dma_wait3A_192 = tpu.memref_slice %arg6[%dma_wait3A_190, %dma_wait3A_191] : memref<2560x32xf32, #tpu.memory_space<vmem>> -> memref<128x32xf32, #tpu.memory_space<vmem>>
      %dma_wait3A_193 = arith.constant 256 : i32
      %dma_wait3A_194 = tpu.memref_slice %arg5[%dma_wait3A_193] : memref<2560xi32, #tpu.memory_space<vmem>> -> memref<128xi32, #tpu.memory_space<vmem>>
      %dma_wait3A_195 = arith.constant 0 : i32
      %dma_wait3A_196 = arith.constant 0 : i32
      %dma_wait3A_197 = tpu.memref_slice %arg3[%dma_wait3A_195, %dma_wait3A_196] : memref<1000000x32xf32, #tpu.memory_space<hbm>> -> memref<1000000x32xf32, #tpu.memory_space<hbm>>
      tpu.wait_indirect_dma semaphore(%arg8 : memref<!tpu.dma_semaphore, #tpu.memory_space<semaphore_mem>>) src(%dma_wait3A_197 : memref<1000000x32xf32, #tpu.memory_space<hbm>>) dst(%dma_wait3A_192 : memref<128x32xf32, #tpu.memory_space<vmem>>)
      %dma_wait3A_198 = arith.constant 384 : i32
      %dma_wait3A_199 = arith.constant 0 : i32
      %dma_wait3A_200 = tpu.memref_slice %arg6[%dma_wait3A_198, %dma_wait3A_199] : memref<2560x32xf32, #tpu.memory_space<vmem>> -> memref<128x32xf32, #tpu.memory_space<vmem>>
      %dma_wait3A_201 = arith.constant 384 : i32
      %dma_wait3A_202 = tpu.memref_slice %arg5[%dma_wait3A_201] : memref<2560xi32, #tpu.memory_space<vmem>> -> memref<128xi32, #tpu.memory_space<vmem>>
      %dma_wait3A_203 = arith.constant 0 : i32
      %dma_wait3A_204 = arith.constant 0 : i32
      %dma_wait3A_205 = tpu.memref_slice %arg3[%dma_wait3A_203, %dma_wait3A_204] : memref<1000000x32xf32, #tpu.memory_space<hbm>> -> memref<1000000x32xf32, #tpu.memory_space<hbm>>
      tpu.wait_indirect_dma semaphore(%arg8 : memref<!tpu.dma_semaphore, #tpu.memory_space<semaphore_mem>>) src(%dma_wait3A_205 : memref<1000000x32xf32, #tpu.memory_space<hbm>>) dst(%dma_wait3A_200 : memref<128x32xf32, #tpu.memory_space<vmem>>)
      %dma_wait3A_206 = arith.constant 512 : i32
      %dma_wait3A_207 = arith.constant 0 : i32
      %dma_wait3A_208 = tpu.memref_slice %arg6[%dma_wait3A_206, %dma_wait3A_207] : memref<2560x32xf32, #tpu.memory_space<vmem>> -> memref<128x32xf32, #tpu.memory_space<vmem>>
      %dma_wait3A_209 = arith.constant 512 : i32
      %dma_wait3A_210 = tpu.memref_slice %arg5[%dma_wait3A_209] : memref<2560xi32, #tpu.memory_space<vmem>> -> memref<128xi32, #tpu.memory_space<vmem>>
      %dma_wait3A_211 = arith.constant 0 : i32
      %dma_wait3A_212 = arith.constant 0 : i32
      %dma_wait3A_213 = tpu.memref_slice %arg3[%dma_wait3A_211, %dma_wait3A_212] : memref<1000000x32xf32, #tpu.memory_space<hbm>> -> memref<1000000x32xf32, #tpu.memory_space<hbm>>
      tpu.wait_indirect_dma semaphore(%arg8 : memref<!tpu.dma_semaphore, #tpu.memory_space<semaphore_mem>>) src(%dma_wait3A_213 : memref<1000000x32xf32, #tpu.memory_space<hbm>>) dst(%dma_wait3A_208 : memref<128x32xf32, #tpu.memory_space<vmem>>)
      %dma_wait3A_214 = arith.constant 640 : i32
      %dma_wait3A_215 = arith.constant 0 : i32
      %dma_wait3A_216 = tpu.memref_slice %arg6[%dma_wait3A_214, %dma_wait3A_215] : memref<2560x32xf32, #tpu.memory_space<vmem>> -> memref<128x32xf32, #tpu.memory_space<vmem>>
      %dma_wait3A_217 = arith.constant 640 : i32
      %dma_wait3A_218 = tpu.memref_slice %arg5[%dma_wait3A_217] : memref<2560xi32, #tpu.memory_space<vmem>> -> memref<128xi32, #tpu.memory_space<vmem>>
      %dma_wait3A_219 = arith.constant 0 : i32
      %dma_wait3A_220 = arith.constant 0 : i32
      %dma_wait3A_221 = tpu.memref_slice %arg3[%dma_wait3A_219, %dma_wait3A_220] : memref<1000000x32xf32, #tpu.memory_space<hbm>> -> memref<1000000x32xf32, #tpu.memory_space<hbm>>
      tpu.wait_indirect_dma semaphore(%arg8 : memref<!tpu.dma_semaphore, #tpu.memory_space<semaphore_mem>>) src(%dma_wait3A_221 : memref<1000000x32xf32, #tpu.memory_space<hbm>>) dst(%dma_wait3A_216 : memref<128x32xf32, #tpu.memory_space<vmem>>)
      %dma_wait3A_222 = arith.constant 768 : i32
      %dma_wait3A_223 = arith.constant 0 : i32
      %dma_wait3A_224 = tpu.memref_slice %arg6[%dma_wait3A_222, %dma_wait3A_223] : memref<2560x32xf32, #tpu.memory_space<vmem>> -> memref<128x32xf32, #tpu.memory_space<vmem>>
      %dma_wait3A_225 = arith.constant 768 : i32
      %dma_wait3A_226 = tpu.memref_slice %arg5[%dma_wait3A_225] : memref<2560xi32, #tpu.memory_space<vmem>> -> memref<128xi32, #tpu.memory_space<vmem>>
      %dma_wait3A_227 = arith.constant 0 : i32
      %dma_wait3A_228 = arith.constant 0 : i32
      %dma_wait3A_229 = tpu.memref_slice %arg3[%dma_wait3A_227, %dma_wait3A_228] : memref<1000000x32xf32, #tpu.memory_space<hbm>> -> memref<1000000x32xf32, #tpu.memory_space<hbm>>
      tpu.wait_indirect_dma semaphore(%arg8 : memref<!tpu.dma_semaphore, #tpu.memory_space<semaphore_mem>>) src(%dma_wait3A_229 : memref<1000000x32xf32, #tpu.memory_space<hbm>>) dst(%dma_wait3A_224 : memref<128x32xf32, #tpu.memory_space<vmem>>)
      %dma_wait3A_230 = arith.constant 896 : i32
      %dma_wait3A_231 = arith.constant 0 : i32
      %dma_wait3A_232 = tpu.memref_slice %arg6[%dma_wait3A_230, %dma_wait3A_231] : memref<2560x32xf32, #tpu.memory_space<vmem>> -> memref<128x32xf32, #tpu.memory_space<vmem>>
      %dma_wait3A_233 = arith.constant 896 : i32
      %dma_wait3A_234 = tpu.memref_slice %arg5[%dma_wait3A_233] : memref<2560xi32, #tpu.memory_space<vmem>> -> memref<128xi32, #tpu.memory_space<vmem>>
      %dma_wait3A_235 = arith.constant 0 : i32
      %dma_wait3A_236 = arith.constant 0 : i32
      %dma_wait3A_237 = tpu.memref_slice %arg3[%dma_wait3A_235, %dma_wait3A_236] : memref<1000000x32xf32, #tpu.memory_space<hbm>> -> memref<1000000x32xf32, #tpu.memory_space<hbm>>
      tpu.wait_indirect_dma semaphore(%arg8 : memref<!tpu.dma_semaphore, #tpu.memory_space<semaphore_mem>>) src(%dma_wait3A_237 : memref<1000000x32xf32, #tpu.memory_space<hbm>>) dst(%dma_wait3A_232 : memref<128x32xf32, #tpu.memory_space<vmem>>)
      %dma_wait3A_238 = arith.constant 1024 : i32
      %dma_wait3A_239 = arith.constant 0 : i32
      %dma_wait3A_240 = tpu.memref_slice %arg6[%dma_wait3A_238, %dma_wait3A_239] : memref<2560x32xf32, #tpu.memory_space<vmem>> -> memref<128x32xf32, #tpu.memory_space<vmem>>
      %dma_wait3A_241 = arith.constant 1024 : i32
      %dma_wait3A_242 = tpu.memref_slice %arg5[%dma_wait3A_241] : memref<2560xi32, #tpu.memory_space<vmem>> -> memref<128xi32, #tpu.memory_space<vmem>>
      %dma_wait3A_243 = arith.constant 0 : i32
      %dma_wait3A_244 = arith.constant 0 : i32
      %dma_wait3A_245 = tpu.memref_slice %arg3[%dma_wait3A_243, %dma_wait3A_244] : memref<1000000x32xf32, #tpu.memory_space<hbm>> -> memref<1000000x32xf32, #tpu.memory_space<hbm>>
      tpu.wait_indirect_dma semaphore(%arg8 : memref<!tpu.dma_semaphore, #tpu.memory_space<semaphore_mem>>) src(%dma_wait3A_245 : memref<1000000x32xf32, #tpu.memory_space<hbm>>) dst(%dma_wait3A_240 : memref<128x32xf32, #tpu.memory_space<vmem>>)
      %dma_wait3A_246 = arith.constant 1152 : i32
      %dma_wait3A_247 = arith.constant 0 : i32
      %dma_wait3A_248 = tpu.memref_slice %arg6[%dma_wait3A_246, %dma_wait3A_247] : memref<2560x32xf32, #tpu.memory_space<vmem>> -> memref<128x32xf32, #tpu.memory_space<vmem>>
      %dma_wait3A_249 = arith.constant 1152 : i32
      %dma_wait3A_250 = tpu.memref_slice %arg5[%dma_wait3A_249] : memref<2560xi32, #tpu.memory_space<vmem>> -> memref<128xi32, #tpu.memory_space<vmem>>
      %dma_wait3A_251 = arith.constant 0 : i32
      %dma_wait3A_252 = arith.constant 0 : i32
      %dma_wait3A_253 = tpu.memref_slice %arg3[%dma_wait3A_251, %dma_wait3A_252] : memref<1000000x32xf32, #tpu.memory_space<hbm>> -> memref<1000000x32xf32, #tpu.memory_space<hbm>>
      tpu.wait_indirect_dma semaphore(%arg8 : memref<!tpu.dma_semaphore, #tpu.memory_space<semaphore_mem>>) src(%dma_wait3A_253 : memref<1000000x32xf32, #tpu.memory_space<hbm>>) dst(%dma_wait3A_248 : memref<128x32xf32, #tpu.memory_space<vmem>>)
      %dma_wait3A_254 = arith.constant 1280 : i32
      %dma_wait3A_255 = arith.constant 0 : i32
      %dma_wait3A_256 = tpu.memref_slice %arg6[%dma_wait3A_254, %dma_wait3A_255] : memref<2560x32xf32, #tpu.memory_space<vmem>> -> memref<128x32xf32, #tpu.memory_space<vmem>>
      %dma_wait3A_257 = arith.constant 1280 : i32
      %dma_wait3A_258 = tpu.memref_slice %arg5[%dma_wait3A_257] : memref<2560xi32, #tpu.memory_space<vmem>> -> memref<128xi32, #tpu.memory_space<vmem>>
      %dma_wait3A_259 = arith.constant 0 : i32
      %dma_wait3A_260 = arith.constant 0 : i32
      %dma_wait3A_261 = tpu.memref_slice %arg3[%dma_wait3A_259, %dma_wait3A_260] : memref<1000000x32xf32, #tpu.memory_space<hbm>> -> memref<1000000x32xf32, #tpu.memory_space<hbm>>
      tpu.wait_indirect_dma semaphore(%arg8 : memref<!tpu.dma_semaphore, #tpu.memory_space<semaphore_mem>>) src(%dma_wait3A_261 : memref<1000000x32xf32, #tpu.memory_space<hbm>>) dst(%dma_wait3A_256 : memref<128x32xf32, #tpu.memory_space<vmem>>)
      %dma_wait3A_262 = arith.constant 1408 : i32
      %dma_wait3A_263 = arith.constant 0 : i32
      %dma_wait3A_264 = tpu.memref_slice %arg6[%dma_wait3A_262, %dma_wait3A_263] : memref<2560x32xf32, #tpu.memory_space<vmem>> -> memref<128x32xf32, #tpu.memory_space<vmem>>
      %dma_wait3A_265 = arith.constant 1408 : i32
      %dma_wait3A_266 = tpu.memref_slice %arg5[%dma_wait3A_265] : memref<2560xi32, #tpu.memory_space<vmem>> -> memref<128xi32, #tpu.memory_space<vmem>>
      %dma_wait3A_267 = arith.constant 0 : i32
      %dma_wait3A_268 = arith.constant 0 : i32
      %dma_wait3A_269 = tpu.memref_slice %arg3[%dma_wait3A_267, %dma_wait3A_268] : memref<1000000x32xf32, #tpu.memory_space<hbm>> -> memref<1000000x32xf32, #tpu.memory_space<hbm>>
      tpu.wait_indirect_dma semaphore(%arg8 : memref<!tpu.dma_semaphore, #tpu.memory_space<semaphore_mem>>) src(%dma_wait3A_269 : memref<1000000x32xf32, #tpu.memory_space<hbm>>) dst(%dma_wait3A_264 : memref<128x32xf32, #tpu.memory_space<vmem>>)
      %dma_wait3A_270 = arith.constant 1536 : i32
      %dma_wait3A_271 = arith.constant 0 : i32
      %dma_wait3A_272 = tpu.memref_slice %arg6[%dma_wait3A_270, %dma_wait3A_271] : memref<2560x32xf32, #tpu.memory_space<vmem>> -> memref<128x32xf32, #tpu.memory_space<vmem>>
      %dma_wait3A_273 = arith.constant 1536 : i32
      %dma_wait3A_274 = tpu.memref_slice %arg5[%dma_wait3A_273] : memref<2560xi32, #tpu.memory_space<vmem>> -> memref<128xi32, #tpu.memory_space<vmem>>
      %dma_wait3A_275 = arith.constant 0 : i32
      %dma_wait3A_276 = arith.constant 0 : i32
      %dma_wait3A_277 = tpu.memref_slice %arg3[%dma_wait3A_275, %dma_wait3A_276] : memref<1000000x32xf32, #tpu.memory_space<hbm>> -> memref<1000000x32xf32, #tpu.memory_space<hbm>>
      tpu.wait_indirect_dma semaphore(%arg8 : memref<!tpu.dma_semaphore, #tpu.memory_space<semaphore_mem>>) src(%dma_wait3A_277 : memref<1000000x32xf32, #tpu.memory_space<hbm>>) dst(%dma_wait3A_272 : memref<128x32xf32, #tpu.memory_space<vmem>>)
      %dma_wait3A_278 = arith.constant 1664 : i32
      %dma_wait3A_279 = arith.constant 0 : i32
      %dma_wait3A_280 = tpu.memref_slice %arg6[%dma_wait3A_278, %dma_wait3A_279] : memref<2560x32xf32, #tpu.memory_space<vmem>> -> memref<128x32xf32, #tpu.memory_space<vmem>>
      %dma_wait3A_281 = arith.constant 1664 : i32
      %dma_wait3A_282 = tpu.memref_slice %arg5[%dma_wait3A_281] : memref<2560xi32, #tpu.memory_space<vmem>> -> memref<128xi32, #tpu.memory_space<vmem>>
      %dma_wait3A_283 = arith.constant 0 : i32
      %dma_wait3A_284 = arith.constant 0 : i32
      %dma_wait3A_285 = tpu.memref_slice %arg3[%dma_wait3A_283, %dma_wait3A_284] : memref<1000000x32xf32, #tpu.memory_space<hbm>> -> memref<1000000x32xf32, #tpu.memory_space<hbm>>
      tpu.wait_indirect_dma semaphore(%arg8 : memref<!tpu.dma_semaphore, #tpu.memory_space<semaphore_mem>>) src(%dma_wait3A_285 : memref<1000000x32xf32, #tpu.memory_space<hbm>>) dst(%dma_wait3A_280 : memref<128x32xf32, #tpu.memory_space<vmem>>)
      %dma_wait3A_286 = arith.constant 1792 : i32
      %dma_wait3A_287 = arith.constant 0 : i32
      %dma_wait3A_288 = tpu.memref_slice %arg6[%dma_wait3A_286, %dma_wait3A_287] : memref<2560x32xf32, #tpu.memory_space<vmem>> -> memref<128x32xf32, #tpu.memory_space<vmem>>
      %dma_wait3A_289 = arith.constant 1792 : i32
      %dma_wait3A_290 = tpu.memref_slice %arg5[%dma_wait3A_289] : memref<2560xi32, #tpu.memory_space<vmem>> -> memref<128xi32, #tpu.memory_space<vmem>>
      %dma_wait3A_291 = arith.constant 0 : i32
      %dma_wait3A_292 = arith.constant 0 : i32
      %dma_wait3A_293 = tpu.memref_slice %arg3[%dma_wait3A_291, %dma_wait3A_292] : memref<1000000x32xf32, #tpu.memory_space<hbm>> -> memref<1000000x32xf32, #tpu.memory_space<hbm>>
      tpu.wait_indirect_dma semaphore(%arg8 : memref<!tpu.dma_semaphore, #tpu.memory_space<semaphore_mem>>) src(%dma_wait3A_293 : memref<1000000x32xf32, #tpu.memory_space<hbm>>) dst(%dma_wait3A_288 : memref<128x32xf32, #tpu.memory_space<vmem>>)
      %dma_wait3A_294 = arith.constant 1920 : i32
      %dma_wait3A_295 = arith.constant 0 : i32
      %dma_wait3A_296 = tpu.memref_slice %arg6[%dma_wait3A_294, %dma_wait3A_295] : memref<2560x32xf32, #tpu.memory_space<vmem>> -> memref<128x32xf32, #tpu.memory_space<vmem>>
      %dma_wait3A_297 = arith.constant 1920 : i32
      %dma_wait3A_298 = tpu.memref_slice %arg5[%dma_wait3A_297] : memref<2560xi32, #tpu.memory_space<vmem>> -> memref<128xi32, #tpu.memory_space<vmem>>
      %dma_wait3A_299 = arith.constant 0 : i32
      %dma_wait3A_300 = arith.constant 0 : i32
      %dma_wait3A_301 = tpu.memref_slice %arg3[%dma_wait3A_299, %dma_wait3A_300] : memref<1000000x32xf32, #tpu.memory_space<hbm>> -> memref<1000000x32xf32, #tpu.memory_space<hbm>>
      tpu.wait_indirect_dma semaphore(%arg8 : memref<!tpu.dma_semaphore, #tpu.memory_space<semaphore_mem>>) src(%dma_wait3A_301 : memref<1000000x32xf32, #tpu.memory_space<hbm>>) dst(%dma_wait3A_296 : memref<128x32xf32, #tpu.memory_space<vmem>>)
      %dma_wait3A_302 = arith.constant 2048 : i32
      %dma_wait3A_303 = arith.constant 0 : i32
      %dma_wait3A_304 = tpu.memref_slice %arg6[%dma_wait3A_302, %dma_wait3A_303] : memref<2560x32xf32, #tpu.memory_space<vmem>> -> memref<128x32xf32, #tpu.memory_space<vmem>>
      %dma_wait3A_305 = arith.constant 2048 : i32
      %dma_wait3A_306 = tpu.memref_slice %arg5[%dma_wait3A_305] : memref<2560xi32, #tpu.memory_space<vmem>> -> memref<128xi32, #tpu.memory_space<vmem>>
      %dma_wait3A_307 = arith.constant 0 : i32
      %dma_wait3A_308 = arith.constant 0 : i32
      %dma_wait3A_309 = tpu.memref_slice %arg3[%dma_wait3A_307, %dma_wait3A_308] : memref<1000000x32xf32, #tpu.memory_space<hbm>> -> memref<1000000x32xf32, #tpu.memory_space<hbm>>
      tpu.wait_indirect_dma semaphore(%arg8 : memref<!tpu.dma_semaphore, #tpu.memory_space<semaphore_mem>>) src(%dma_wait3A_309 : memref<1000000x32xf32, #tpu.memory_space<hbm>>) dst(%dma_wait3A_304 : memref<128x32xf32, #tpu.memory_space<vmem>>)
      %dma_wait3A_310 = arith.constant 2176 : i32
      %dma_wait3A_311 = arith.constant 0 : i32
      %dma_wait3A_312 = tpu.memref_slice %arg6[%dma_wait3A_310, %dma_wait3A_311] : memref<2560x32xf32, #tpu.memory_space<vmem>> -> memref<128x32xf32, #tpu.memory_space<vmem>>
      %dma_wait3A_313 = arith.constant 2176 : i32
      %dma_wait3A_314 = tpu.memref_slice %arg5[%dma_wait3A_313] : memref<2560xi32, #tpu.memory_space<vmem>> -> memref<128xi32, #tpu.memory_space<vmem>>
      %dma_wait3A_315 = arith.constant 0 : i32
      %dma_wait3A_316 = arith.constant 0 : i32
      %dma_wait3A_317 = tpu.memref_slice %arg3[%dma_wait3A_315, %dma_wait3A_316] : memref<1000000x32xf32, #tpu.memory_space<hbm>> -> memref<1000000x32xf32, #tpu.memory_space<hbm>>
      tpu.wait_indirect_dma semaphore(%arg8 : memref<!tpu.dma_semaphore, #tpu.memory_space<semaphore_mem>>) src(%dma_wait3A_317 : memref<1000000x32xf32, #tpu.memory_space<hbm>>) dst(%dma_wait3A_312 : memref<128x32xf32, #tpu.memory_space<vmem>>)
      %dma_wait3A_318 = arith.constant 2304 : i32
      %dma_wait3A_319 = arith.constant 0 : i32
      %dma_wait3A_320 = tpu.memref_slice %arg6[%dma_wait3A_318, %dma_wait3A_319] : memref<2560x32xf32, #tpu.memory_space<vmem>> -> memref<128x32xf32, #tpu.memory_space<vmem>>
      %dma_wait3A_321 = arith.constant 2304 : i32
      %dma_wait3A_322 = tpu.memref_slice %arg5[%dma_wait3A_321] : memref<2560xi32, #tpu.memory_space<vmem>> -> memref<128xi32, #tpu.memory_space<vmem>>
      %dma_wait3A_323 = arith.constant 0 : i32
      %dma_wait3A_324 = arith.constant 0 : i32
      %dma_wait3A_325 = tpu.memref_slice %arg3[%dma_wait3A_323, %dma_wait3A_324] : memref<1000000x32xf32, #tpu.memory_space<hbm>> -> memref<1000000x32xf32, #tpu.memory_space<hbm>>
      tpu.wait_indirect_dma semaphore(%arg8 : memref<!tpu.dma_semaphore, #tpu.memory_space<semaphore_mem>>) src(%dma_wait3A_325 : memref<1000000x32xf32, #tpu.memory_space<hbm>>) dst(%dma_wait3A_320 : memref<128x32xf32, #tpu.memory_space<vmem>>)
      %dma_wait3A_326 = arith.constant 2432 : i32
      %dma_wait3A_327 = arith.constant 0 : i32
      %dma_wait3A_328 = tpu.memref_slice %arg6[%dma_wait3A_326, %dma_wait3A_327] : memref<2560x32xf32, #tpu.memory_space<vmem>> -> memref<128x32xf32, #tpu.memory_space<vmem>>
      %dma_wait3A_329 = arith.constant 2432 : i32
      %dma_wait3A_330 = tpu.memref_slice %arg5[%dma_wait3A_329] : memref<2560xi32, #tpu.memory_space<vmem>> -> memref<128xi32, #tpu.memory_space<vmem>>
      %dma_wait3A_331 = arith.constant 0 : i32
      %dma_wait3A_332 = arith.constant 0 : i32
      %dma_wait3A_333 = tpu.memref_slice %arg3[%dma_wait3A_331, %dma_wait3A_332] : memref<1000000x32xf32, #tpu.memory_space<hbm>> -> memref<1000000x32xf32, #tpu.memory_space<hbm>>
      tpu.wait_indirect_dma semaphore(%arg8 : memref<!tpu.dma_semaphore, #tpu.memory_space<semaphore_mem>>) src(%dma_wait3A_333 : memref<1000000x32xf32, #tpu.memory_space<hbm>>) dst(%dma_wait3A_328 : memref<128x32xf32, #tpu.memory_space<vmem>>)
      %scan3A_334 = arith.constant 0 : i32
      %scan3A_335 = arith.constant 0 : i32
      %scan3A_336 = arith.constant 128 : i32
      %scan3A_337 = arith.addi %scan3A_335, %scan3A_336 : i32
      %scan3A_338 = arith.constant 1 : i32
      %scan3A_339 = scf.for %scan3A_342 = %scan3A_335 to %scan3A_337 step %scan3A_338 iter_args(%scan3A_343 = %scan3A_334) -> (i32)  : i32 {
        %mul3A_344 = arith.constant 20 : i32
        %mul3A_345 = arith.muli %scan3A_342, %mul3A_344 : i32
        %get3A = arith.index_cast %mul3A_345 : i32 to index
        %get3A_346 = arith.constant 0 : index
        %get3A_347 = tpu.vector_load %arg6[%get3A, %get3A_346] {strides = array<i32>} : memref<2560x32xf32, #tpu.memory_space<vmem>>, vector<1x16xf32>,
        %get3A_348 = vector.shape_cast %get3A_347 : vector<1x16xf32> to vector<16xf32>
        %get3A_349 = arith.index_cast %mul3A_345 : i32 to index
        %get3A_350 = arith.constant 16 : index
        %get3A_351 = tpu.vector_load %arg6[%get3A_349, %get3A_350] {strides = array<i32>} : memref<2560x32xf32, #tpu.memory_space<vmem>>, vector<1x16xf32>,
        %get3A_352 = vector.shape_cast %get3A_351 : vector<1x16xf32> to vector<16xf32>
        %add3A_353 = arith.constant 1 : i32
        %add3A_354 = arith.addi %mul3A_345, %add3A_353 : i32
        %get3A_355 = arith.index_cast %add3A_354 : i32 to index
        %get3A_356 = arith.constant 0 : index
        %get3A_357 = tpu.vector_load %arg6[%get3A_355, %get3A_356] {strides = array<i32>} : memref<2560x32xf32, #tpu.memory_space<vmem>>, vector<1x16xf32>,
        %get3A_358 = vector.shape_cast %get3A_357 : vector<1x16xf32> to vector<16xf32>
        %add3A_359 = arith.addf %get3A_348, %get3A_358 : vector<16xf32>
        %add3A_360 = arith.constant 1 : i32
        %add3A_361 = arith.addi %mul3A_345, %add3A_360 : i32
        %get3A_362 = arith.index_cast %add3A_361 : i32 to index
        %get3A_363 = arith.constant 16 : index
        %get3A_364 = tpu.vector_load %arg6[%get3A_362, %get3A_363] {strides = array<i32>} : memref<2560x32xf32, #tpu.memory_space<vmem>>, vector<1x16xf32>,
        %get3A_365 = vector.shape_cast %get3A_364 : vector<1x16xf32> to vector<16xf32>
        %add3A_366 = arith.addf %get3A_352, %get3A_365 : vector<16xf32>
        %add3A_367 = arith.constant 2 : i32
        %add3A_368 = arith.addi %mul3A_345, %add3A_367 : i32
        %get3A_369 = arith.index_cast %add3A_368 : i32 to index
        %get3A_370 = arith.constant 0 : index
        %get3A_371 = tpu.vector_load %arg6[%get3A_369, %get3A_370] {strides = array<i32>} : memref<2560x32xf32, #tpu.memory_space<vmem>>, vector<1x16xf32>,
        %get3A_372 = vector.shape_cast %get3A_371 : vector<1x16xf32> to vector<16xf32>
        %add3A_373 = arith.addf %add3A_359, %get3A_372 : vector<16xf32>
        %add3A_374 = arith.constant 2 : i32
        %add3A_375 = arith.addi %mul3A_345, %add3A_374 : i32
        %get3A_376 = arith.index_cast %add3A_375 : i32 to index
        %get3A_377 = arith.constant 16 : index
        %get3A_378 = tpu.vector_load %arg6[%get3A_376, %get3A_377] {strides = array<i32>} : memref<2560x32xf32, #tpu.memory_space<vmem>>, vector<1x16xf32>,
        %get3A_379 = vector.shape_cast %get3A_378 : vector<1x16xf32> to vector<16xf32>
        %add3A_380 = arith.addf %add3A_366, %get3A_379 : vector<16xf32>
        %add3A_381 = arith.constant 3 : i32
        %add3A_382 = arith.addi %mul3A_345, %add3A_381 : i32
        %get3A_383 = arith.index_cast %add3A_382 : i32 to index
        %get3A_384 = arith.constant 0 : index
        %get3A_385 = tpu.vector_load %arg6[%get3A_383, %get3A_384] {strides = array<i32>} : memref<2560x32xf32, #tpu.memory_space<vmem>>, vector<1x16xf32>,
        %get3A_386 = vector.shape_cast %get3A_385 : vector<1x16xf32> to vector<16xf32>
        %add3A_387 = arith.addf %add3A_373, %get3A_386 : vector<16xf32>
        %add3A_388 = arith.constant 3 : i32
        %add3A_389 = arith.addi %mul3A_345, %add3A_388 : i32
        %get3A_390 = arith.index_cast %add3A_389 : i32 to index
        %get3A_391 = arith.constant 16 : index
        %get3A_392 = tpu.vector_load %arg6[%get3A_390, %get3A_391] {strides = array<i32>} : memref<2560x32xf32, #tpu.memory_space<vmem>>, vector<1x16xf32>,
        %get3A_393 = vector.shape_cast %get3A_392 : vector<1x16xf32> to vector<16xf32>
        %add3A_394 = arith.addf %add3A_380, %get3A_393 : vector<16xf32>
        %add3A_395 = arith.constant 4 : i32
        %add3A_396 = arith.addi %mul3A_345, %add3A_395 : i32
        %get3A_397 = arith.index_cast %add3A_396 : i32 to index
        %get3A_398 = arith.constant 0 : index
        %get3A_399 = tpu.vector_load %arg6[%get3A_397, %get3A_398] {strides = array<i32>} : memref<2560x32xf32, #tpu.memory_space<vmem>>, vector<1x16xf32>,
        %get3A_400 = vector.shape_cast %get3A_399 : vector<1x16xf32> to vector<16xf32>
        %add3A_401 = arith.addf %add3A_387, %get3A_400 : vector<16xf32>
        %add3A_402 = arith.constant 4 : i32
        %add3A_403 = arith.addi %mul3A_345, %add3A_402 : i32
        %get3A_404 = arith.index_cast %add3A_403 : i32 to index
        %get3A_405 = arith.constant 16 : index
        %get3A_406 = tpu.vector_load %arg6[%get3A_404, %get3A_405] {strides = array<i32>} : memref<2560x32xf32, #tpu.memory_space<vmem>>, vector<1x16xf32>,
        %get3A_407 = vector.shape_cast %get3A_406 : vector<1x16xf32> to vector<16xf32>
        %add3A_408 = arith.addf %add3A_394, %get3A_407 : vector<16xf32>
        %add3A_409 = arith.constant 5 : i32
        %add3A_410 = arith.addi %mul3A_345, %add3A_409 : i32
        %get3A_411 = arith.index_cast %add3A_410 : i32 to index
        %get3A_412 = arith.constant 0 : index
        %get3A_413 = tpu.vector_load %arg6[%get3A_411, %get3A_412] {strides = array<i32>} : memref<2560x32xf32, #tpu.memory_space<vmem>>, vector<1x16xf32>,
        %get3A_414 = vector.shape_cast %get3A_413 : vector<1x16xf32> to vector<16xf32>
        %add3A_415 = arith.addf %add3A_401, %get3A_414 : vector<16xf32>
        %add3A_416 = arith.constant 5 : i32
        %add3A_417 = arith.addi %mul3A_345, %add3A_416 : i32
        %get3A_418 = arith.index_cast %add3A_417 : i32 to index
        %get3A_419 = arith.constant 16 : index
        %get3A_420 = tpu.vector_load %arg6[%get3A_418, %get3A_419] {strides = array<i32>} : memref<2560x32xf32, #tpu.memory_space<vmem>>, vector<1x16xf32>,
        %get3A_421 = vector.shape_cast %get3A_420 : vector<1x16xf32> to vector<16xf32>
        %add3A_422 = arith.addf %add3A_408, %get3A_421 : vector<16xf32>
        %add3A_423 = arith.constant 6 : i32
        %add3A_424 = arith.addi %mul3A_345, %add3A_423 : i32
        %get3A_425 = arith.index_cast %add3A_424 : i32 to index
        %get3A_426 = arith.constant 0 : index
        %get3A_427 = tpu.vector_load %arg6[%get3A_425, %get3A_426] {strides = array<i32>} : memref<2560x32xf32, #tpu.memory_space<vmem>>, vector<1x16xf32>,
        %get3A_428 = vector.shape_cast %get3A_427 : vector<1x16xf32> to vector<16xf32>
        %add3A_429 = arith.addf %add3A_415, %get3A_428 : vector<16xf32>
        %add3A_430 = arith.constant 6 : i32
        %add3A_431 = arith.addi %mul3A_345, %add3A_430 : i32
        %get3A_432 = arith.index_cast %add3A_431 : i32 to index
        %get3A_433 = arith.constant 16 : index
        %get3A_434 = tpu.vector_load %arg6[%get3A_432, %get3A_433] {strides = array<i32>} : memref<2560x32xf32, #tpu.memory_space<vmem>>, vector<1x16xf32>,
        %get3A_435 = vector.shape_cast %get3A_434 : vector<1x16xf32> to vector<16xf32>
        %add3A_436 = arith.addf %add3A_422, %get3A_435 : vector<16xf32>
        %add3A_437 = arith.constant 7 : i32
        %add3A_438 = arith.addi %mul3A_345, %add3A_437 : i32
        %get3A_439 = arith.index_cast %add3A_438 : i32 to index
        %get3A_440 = arith.constant 0 : index
        %get3A_441 = tpu.vector_load %arg6[%get3A_439, %get3A_440] {strides = array<i32>} : memref<2560x32xf32, #tpu.memory_space<vmem>>, vector<1x16xf32>,
        %get3A_442 = vector.shape_cast %get3A_441 : vector<1x16xf32> to vector<16xf32>
        %add3A_443 = arith.addf %add3A_429, %get3A_442 : vector<16xf32>
        %add3A_444 = arith.constant 7 : i32
        %add3A_445 = arith.addi %mul3A_345, %add3A_444 : i32
        %get3A_446 = arith.index_cast %add3A_445 : i32 to index
        %get3A_447 = arith.constant 16 : index
        %get3A_448 = tpu.vector_load %arg6[%get3A_446, %get3A_447] {strides = array<i32>} : memref<2560x32xf32, #tpu.memory_space<vmem>>, vector<1x16xf32>,
        %get3A_449 = vector.shape_cast %get3A_448 : vector<1x16xf32> to vector<16xf32>
        %add3A_450 = arith.addf %add3A_436, %get3A_449 : vector<16xf32>
        %add3A_451 = arith.constant 8 : i32
        %add3A_452 = arith.addi %mul3A_345, %add3A_451 : i32
        %get3A_453 = arith.index_cast %add3A_452 : i32 to index
        %get3A_454 = arith.constant 0 : index
        %get3A_455 = tpu.vector_load %arg6[%get3A_453, %get3A_454] {strides = array<i32>} : memref<2560x32xf32, #tpu.memory_space<vmem>>, vector<1x16xf32>,
        %get3A_456 = vector.shape_cast %get3A_455 : vector<1x16xf32> to vector<16xf32>
        %add3A_457 = arith.addf %add3A_443, %get3A_456 : vector<16xf32>
        %add3A_458 = arith.constant 8 : i32
        %add3A_459 = arith.addi %mul3A_345, %add3A_458 : i32
        %get3A_460 = arith.index_cast %add3A_459 : i32 to index
        %get3A_461 = arith.constant 16 : index
        %get3A_462 = tpu.vector_load %arg6[%get3A_460, %get3A_461] {strides = array<i32>} : memref<2560x32xf32, #tpu.memory_space<vmem>>, vector<1x16xf32>,
        %get3A_463 = vector.shape_cast %get3A_462 : vector<1x16xf32> to vector<16xf32>
        %add3A_464 = arith.addf %add3A_450, %get3A_463 : vector<16xf32>
        %add3A_465 = arith.constant 9 : i32
        %add3A_466 = arith.addi %mul3A_345, %add3A_465 : i32
        %get3A_467 = arith.index_cast %add3A_466 : i32 to index
        %get3A_468 = arith.constant 0 : index
        %get3A_469 = tpu.vector_load %arg6[%get3A_467, %get3A_468] {strides = array<i32>} : memref<2560x32xf32, #tpu.memory_space<vmem>>, vector<1x16xf32>,
        %get3A_470 = vector.shape_cast %get3A_469 : vector<1x16xf32> to vector<16xf32>
        %add3A_471 = arith.addf %add3A_457, %get3A_470 : vector<16xf32>
        %add3A_472 = arith.constant 9 : i32
        %add3A_473 = arith.addi %mul3A_345, %add3A_472 : i32
        %get3A_474 = arith.index_cast %add3A_473 : i32 to index
        %get3A_475 = arith.constant 16 : index
        %get3A_476 = tpu.vector_load %arg6[%get3A_474, %get3A_475] {strides = array<i32>} : memref<2560x32xf32, #tpu.memory_space<vmem>>, vector<1x16xf32>,
        %get3A_477 = vector.shape_cast %get3A_476 : vector<1x16xf32> to vector<16xf32>
        %add3A_478 = arith.addf %add3A_464, %get3A_477 : vector<16xf32>
        %add3A_479 = arith.constant 10 : i32
        %add3A_480 = arith.addi %mul3A_345, %add3A_479 : i32
        %get3A_481 = arith.index_cast %add3A_480 : i32 to index
        %get3A_482 = arith.constant 0 : index
        %get3A_483 = tpu.vector_load %arg6[%get3A_481, %get3A_482] {strides = array<i32>} : memref<2560x32xf32, #tpu.memory_space<vmem>>, vector<1x16xf32>,
        %get3A_484 = vector.shape_cast %get3A_483 : vector<1x16xf32> to vector<16xf32>
        %add3A_485 = arith.addf %add3A_471, %get3A_484 : vector<16xf32>
        %add3A_486 = arith.constant 10 : i32
        %add3A_487 = arith.addi %mul3A_345, %add3A_486 : i32
        %get3A_488 = arith.index_cast %add3A_487 : i32 to index
        %get3A_489 = arith.constant 16 : index
        %get3A_490 = tpu.vector_load %arg6[%get3A_488, %get3A_489] {strides = array<i32>} : memref<2560x32xf32, #tpu.memory_space<vmem>>, vector<1x16xf32>,
        %get3A_491 = vector.shape_cast %get3A_490 : vector<1x16xf32> to vector<16xf32>
        %add3A_492 = arith.addf %add3A_478, %get3A_491 : vector<16xf32>
        %add3A_493 = arith.constant 11 : i32
        %add3A_494 = arith.addi %mul3A_345, %add3A_493 : i32
        %get3A_495 = arith.index_cast %add3A_494 : i32 to index
        %get3A_496 = arith.constant 0 : index
        %get3A_497 = tpu.vector_load %arg6[%get3A_495, %get3A_496] {strides = array<i32>} : memref<2560x32xf32, #tpu.memory_space<vmem>>, vector<1x16xf32>,
        %get3A_498 = vector.shape_cast %get3A_497 : vector<1x16xf32> to vector<16xf32>
        %add3A_499 = arith.addf %add3A_485, %get3A_498 : vector<16xf32>
        %add3A_500 = arith.constant 11 : i32
        %add3A_501 = arith.addi %mul3A_345, %add3A_500 : i32
        %get3A_502 = arith.index_cast %add3A_501 : i32 to index
        %get3A_503 = arith.constant 16 : index
        %get3A_504 = tpu.vector_load %arg6[%get3A_502, %get3A_503] {strides = array<i32>} : memref<2560x32xf32, #tpu.memory_space<vmem>>, vector<1x16xf32>,
        %get3A_505 = vector.shape_cast %get3A_504 : vector<1x16xf32> to vector<16xf32>
        %add3A_506 = arith.addf %add3A_492, %get3A_505 : vector<16xf32>
        %add3A_507 = arith.constant 12 : i32
        %add3A_508 = arith.addi %mul3A_345, %add3A_507 : i32
        %get3A_509 = arith.index_cast %add3A_508 : i32 to index
        %get3A_510 = arith.constant 0 : index
        %get3A_511 = tpu.vector_load %arg6[%get3A_509, %get3A_510] {strides = array<i32>} : memref<2560x32xf32, #tpu.memory_space<vmem>>, vector<1x16xf32>,
        %get3A_512 = vector.shape_cast %get3A_511 : vector<1x16xf32> to vector<16xf32>
        %add3A_513 = arith.addf %add3A_499, %get3A_512 : vector<16xf32>
        %add3A_514 = arith.constant 12 : i32
        %add3A_515 = arith.addi %mul3A_345, %add3A_514 : i32
        %get3A_516 = arith.index_cast %add3A_515 : i32 to index
        %get3A_517 = arith.constant 16 : index
        %get3A_518 = tpu.vector_load %arg6[%get3A_516, %get3A_517] {strides = array<i32>} : memref<2560x32xf32, #tpu.memory_space<vmem>>, vector<1x16xf32>,
        %get3A_519 = vector.shape_cast %get3A_518 : vector<1x16xf32> to vector<16xf32>
        %add3A_520 = arith.addf %add3A_506, %get3A_519 : vector<16xf32>
        %add3A_521 = arith.constant 13 : i32
        %add3A_522 = arith.addi %mul3A_345, %add3A_521 : i32
        %get3A_523 = arith.index_cast %add3A_522 : i32 to index
        %get3A_524 = arith.constant 0 : index
        %get3A_525 = tpu.vector_load %arg6[%get3A_523, %get3A_524] {strides = array<i32>} : memref<2560x32xf32, #tpu.memory_space<vmem>>, vector<1x16xf32>,
        %get3A_526 = vector.shape_cast %get3A_525 : vector<1x16xf32> to vector<16xf32>
        %add3A_527 = arith.addf %add3A_513, %get3A_526 : vector<16xf32>
        %add3A_528 = arith.constant 13 : i32
        %add3A_529 = arith.addi %mul3A_345, %add3A_528 : i32
        %get3A_530 = arith.index_cast %add3A_529 : i32 to index
        %get3A_531 = arith.constant 16 : index
        %get3A_532 = tpu.vector_load %arg6[%get3A_530, %get3A_531] {strides = array<i32>} : memref<2560x32xf32, #tpu.memory_space<vmem>>, vector<1x16xf32>,
        %get3A_533 = vector.shape_cast %get3A_532 : vector<1x16xf32> to vector<16xf32>
        %add3A_534 = arith.addf %add3A_520, %get3A_533 : vector<16xf32>
        %add3A_535 = arith.constant 14 : i32
        %add3A_536 = arith.addi %mul3A_345, %add3A_535 : i32
        %get3A_537 = arith.index_cast %add3A_536 : i32 to index
        %get3A_538 = arith.constant 0 : index
        %get3A_539 = tpu.vector_load %arg6[%get3A_537, %get3A_538] {strides = array<i32>} : memref<2560x32xf32, #tpu.memory_space<vmem>>, vector<1x16xf32>,
        %get3A_540 = vector.shape_cast %get3A_539 : vector<1x16xf32> to vector<16xf32>
        %add3A_541 = arith.addf %add3A_527, %get3A_540 : vector<16xf32>
        %add3A_542 = arith.constant 14 : i32
        %add3A_543 = arith.addi %mul3A_345, %add3A_542 : i32
        %get3A_544 = arith.index_cast %add3A_543 : i32 to index
        %get3A_545 = arith.constant 16 : index
        %get3A_546 = tpu.vector_load %arg6[%get3A_544, %get3A_545] {strides = array<i32>} : memref<2560x32xf32, #tpu.memory_space<vmem>>, vector<1x16xf32>,
        %get3A_547 = vector.shape_cast %get3A_546 : vector<1x16xf32> to vector<16xf32>
        %add3A_548 = arith.addf %add3A_534, %get3A_547 : vector<16xf32>
        %add3A_549 = arith.constant 15 : i32
        %add3A_550 = arith.addi %mul3A_345, %add3A_549 : i32
        %get3A_551 = arith.index_cast %add3A_550 : i32 to index
        %get3A_552 = arith.constant 0 : index
        %get3A_553 = tpu.vector_load %arg6[%get3A_551, %get3A_552] {strides = array<i32>} : memref<2560x32xf32, #tpu.memory_space<vmem>>, vector<1x16xf32>,
        %get3A_554 = vector.shape_cast %get3A_553 : vector<1x16xf32> to vector<16xf32>
        %add3A_555 = arith.addf %add3A_541, %get3A_554 : vector<16xf32>
        %add3A_556 = arith.constant 15 : i32
        %add3A_557 = arith.addi %mul3A_345, %add3A_556 : i32
        %get3A_558 = arith.index_cast %add3A_557 : i32 to index
        %get3A_559 = arith.constant 16 : index
        %get3A_560 = tpu.vector_load %arg6[%get3A_558, %get3A_559] {strides = array<i32>} : memref<2560x32xf32, #tpu.memory_space<vmem>>, vector<1x16xf32>,
        %get3A_561 = vector.shape_cast %get3A_560 : vector<1x16xf32> to vector<16xf32>
        %add3A_562 = arith.addf %add3A_548, %get3A_561 : vector<16xf32>
        %add3A_563 = arith.constant 16 : i32
        %add3A_564 = arith.addi %mul3A_345, %add3A_563 : i32
        %get3A_565 = arith.index_cast %add3A_564 : i32 to index
        %get3A_566 = arith.constant 0 : index
        %get3A_567 = tpu.vector_load %arg6[%get3A_565, %get3A_566] {strides = array<i32>} : memref<2560x32xf32, #tpu.memory_space<vmem>>, vector<1x16xf32>,
        %get3A_568 = vector.shape_cast %get3A_567 : vector<1x16xf32> to vector<16xf32>
        %add3A_569 = arith.addf %add3A_555, %get3A_568 : vector<16xf32>
        %add3A_570 = arith.constant 16 : i32
        %add3A_571 = arith.addi %mul3A_345, %add3A_570 : i32
        %get3A_572 = arith.index_cast %add3A_571 : i32 to index
        %get3A_573 = arith.constant 16 : index
        %get3A_574 = tpu.vector_load %arg6[%get3A_572, %get3A_573] {strides = array<i32>} : memref<2560x32xf32, #tpu.memory_space<vmem>>, vector<1x16xf32>,
        %get3A_575 = vector.shape_cast %get3A_574 : vector<1x16xf32> to vector<16xf32>
        %add3A_576 = arith.addf %add3A_562, %get3A_575 : vector<16xf32>
        %add3A_577 = arith.constant 17 : i32
        %add3A_578 = arith.addi %mul3A_345, %add3A_577 : i32
        %get3A_579 = arith.index_cast %add3A_578 : i32 to index
        %get3A_580 = arith.constant 0 : index
        %get3A_581 = tpu.vector_load %arg6[%get3A_579, %get3A_580] {strides = array<i32>} : memref<2560x32xf32, #tpu.memory_space<vmem>>, vector<1x16xf32>,
        %get3A_582 = vector.shape_cast %get3A_581 : vector<1x16xf32> to vector<16xf32>
        %add3A_583 = arith.addf %add3A_569, %get3A_582 : vector<16xf32>
        %add3A_584 = arith.constant 17 : i32
        %add3A_585 = arith.addi %mul3A_345, %add3A_584 : i32
        %get3A_586 = arith.index_cast %add3A_585 : i32 to index
        %get3A_587 = arith.constant 16 : index
        %get3A_588 = tpu.vector_load %arg6[%get3A_586, %get3A_587] {strides = array<i32>} : memref<2560x32xf32, #tpu.memory_space<vmem>>, vector<1x16xf32>,
        %get3A_589 = vector.shape_cast %get3A_588 : vector<1x16xf32> to vector<16xf32>
        %add3A_590 = arith.addf %add3A_576, %get3A_589 : vector<16xf32>
        %add3A_591 = arith.constant 18 : i32
        %add3A_592 = arith.addi %mul3A_345, %add3A_591 : i32
        %get3A_593 = arith.index_cast %add3A_592 : i32 to index
        %get3A_594 = arith.constant 0 : index
        %get3A_595 = tpu.vector_load %arg6[%get3A_593, %get3A_594] {strides = array<i32>} : memref<2560x32xf32, #tpu.memory_space<vmem>>, vector<1x16xf32>,
        %get3A_596 = vector.shape_cast %get3A_595 : vector<1x16xf32> to vector<16xf32>
        %add3A_597 = arith.addf %add3A_583, %get3A_596 : vector<16xf32>
        %add3A_598 = arith.constant 18 : i32
        %add3A_599 = arith.addi %mul3A_345, %add3A_598 : i32
        %get3A_600 = arith.index_cast %add3A_599 : i32 to index
        %get3A_601 = arith.constant 16 : index
        %get3A_602 = tpu.vector_load %arg6[%get3A_600, %get3A_601] {strides = array<i32>} : memref<2560x32xf32, #tpu.memory_space<vmem>>, vector<1x16xf32>,
        %get3A_603 = vector.shape_cast %get3A_602 : vector<1x16xf32> to vector<16xf32>
        %add3A_604 = arith.addf %add3A_590, %get3A_603 : vector<16xf32>
        %add3A_605 = arith.constant 19 : i32
        %add3A_606 = arith.addi %mul3A_345, %add3A_605 : i32
        %get3A_607 = arith.index_cast %add3A_606 : i32 to index
        %get3A_608 = arith.constant 0 : index
        %get3A_609 = tpu.vector_load %arg6[%get3A_607, %get3A_608] {strides = array<i32>} : memref<2560x32xf32, #tpu.memory_space<vmem>>, vector<1x16xf32>,
        %get3A_610 = vector.shape_cast %get3A_609 : vector<1x16xf32> to vector<16xf32>
        %add3A_611 = arith.addf %add3A_597, %get3A_610 : vector<16xf32>
        %add3A_612 = arith.constant 19 : i32
        %add3A_613 = arith.addi %mul3A_345, %add3A_612 : i32
        %get3A_614 = arith.index_cast %add3A_613 : i32 to index
        %get3A_615 = arith.constant 16 : index
        %get3A_616 = tpu.vector_load %arg6[%get3A_614, %get3A_615] {strides = array<i32>} : memref<2560x32xf32, #tpu.memory_space<vmem>>, vector<1x16xf32>,
        %get3A_617 = vector.shape_cast %get3A_616 : vector<1x16xf32> to vector<16xf32>
        %add3A_618 = arith.addf %add3A_604, %get3A_617 : vector<16xf32>
        %mul3A_619 = arith.constant 128 : i32
        %mul3A_620 = arith.muli %scan3A_9, %mul3A_619 : i32
        %add3A_621 = arith.addi %mul3A_620, %scan3A_342 : i32
        %swap3A = arith.index_cast %add3A_621 : i32 to index
        %swap3A_622 = arith.constant 0 : index
        %swap3A_623 = tpu.vector_load %arg7[%swap3A, %swap3A_622] {strides = array<i32>} : memref<512x32xf32, #tpu.memory_space<vmem>>, vector<1x16xf32>,
        %swap3A_624 = vector.shape_cast %swap3A_623 : vector<1x16xf32> to vector<16xf32>
        %swap3A_625 = vector.shape_cast %add3A_611 : vector<16xf32> to vector<1x16xf32>
        tpu.vector_store %arg7[%swap3A, %swap3A_622], %swap3A_625 {strides = array<i32>} : memref<512x32xf32, #tpu.memory_space<vmem>>, vector<1x16xf32>,
        %mul3A_626 = arith.constant 128 : i32
        %mul3A_627 = arith.muli %scan3A_9, %mul3A_626 : i32
        %add3A_628 = arith.addi %mul3A_627, %scan3A_342 : i32
        %swap3A_629 = arith.index_cast %add3A_628 : i32 to index
        %swap3A_630 = arith.constant 16 : index
        %swap3A_631 = tpu.vector_load %arg7[%swap3A_629, %swap3A_630] {strides = array<i32>} : memref<512x32xf32, #tpu.memory_space<vmem>>, vector<1x16xf32>,
        %swap3A_632 = vector.shape_cast %swap3A_631 : vector<1x16xf32> to vector<16xf32>
        %swap3A_633 = vector.shape_cast %add3A_618 : vector<16xf32> to vector<1x16xf32>
        tpu.vector_store %arg7[%swap3A_629, %swap3A_630], %swap3A_633 {strides = array<i32>} : memref<512x32xf32, #tpu.memory_space<vmem>>, vector<1x16xf32>,
        %scan3A_634 = arith.constant 0 : i32
        scf.yield %scan3A_634 : i32
      }
      %scan3A_340 = arith.constant 128 : i32
      %scan3A_341 = arith.constant 0 : i32
      scf.yield %scan3A_341 : i32
    }
    %scan3A_8 = arith.constant 4 : i32
    "tpu.region"() ({
      %run_scoped3A = tpu.sem_alloc : memref<!tpu.dma_semaphore, #tpu.memory_space<semaphore_mem>>
      %dma_start3A = arith.constant 0 : i32
      %dma_start3A_9 = tpu.memref_slice %arg4[%mul3A_2, %dma_start3A] : memref<16384x32xf32, #tpu.memory_space<hbm>> -> memref<512x32xf32, #tpu.memory_space<hbm>>
      %dma_start3A_10 = arith.constant 0 : i32
      %dma_start3A_11 = tpu.memref_slice %arg4[%mul3A_2, %dma_start3A_10] : memref<16384x32xf32, #tpu.memory_space<hbm>> -> memref<512x32xf32, #tpu.memory_space<hbm>>
      tpu.enqueue_dma source(%arg7 : memref<512x32xf32, #tpu.memory_space<vmem>>) target(%dma_start3A_11 : memref<512x32xf32, #tpu.memory_space<hbm>>) target_semaphore(%run_scoped3A : memref<!tpu.dma_semaphore, #tpu.memory_space<semaphore_mem>>)
      %dma_wait3A = arith.constant 0 : i32
      %dma_wait3A_12 = tpu.memref_slice %arg4[%mul3A_2, %dma_wait3A] : memref<16384x32xf32, #tpu.memory_space<hbm>> -> memref<512x32xf32, #tpu.memory_space<hbm>>
      %dma_wait3A_13 = arith.constant 0 : i32
      %dma_wait3A_14 = tpu.memref_slice %arg4[%mul3A_2, %dma_wait3A_13] : memref<16384x32xf32, #tpu.memory_space<hbm>> -> memref<512x32xf32, #tpu.memory_space<hbm>>
      tpu.wait_dma2 semaphore(%run_scoped3A : memref<!tpu.dma_semaphore, #tpu.memory_space<semaphore_mem>>) src(%arg7 : memref<512x32xf32, #tpu.memory_space<vmem>>) dst(%dma_wait3A_14 : memref<512x32xf32, #tpu.memory_space<hbm>>)
      tpu.yield
    }) : () -> ()
    return
  }
}

#map = affine_map<(d0, d1) -> (0, 0)>
#map1 = affine_map<(d0, d1) -> (0)>
module attributes {stable_mosaic.version = 14 : i64} {
  func.func @_relay_body(%arg0: i32, %arg1: i32, %arg2: memref<32x1000000xf32, #tpu.memory_space<hbm>>, %arg3: memref<2048xf32, #tpu.memory_space<hbm>>, %arg4: memref<32000000xf32, #tpu.memory_space<hbm>>, %arg5: memref<32x128xf32, #tpu.memory_space<vmem>>, %arg6: memref<32x128xf32, #tpu.memory_space<vmem>>, %arg7: memref<4096xf32, #tpu.memory_space<vmem>>, %arg8: memref<4096xf32, #tpu.memory_space<vmem>>, %arg9: memref<!tpu.dma_semaphore, #tpu.memory_space<semaphore_mem>>, %arg10: memref<!tpu.dma_semaphore, #tpu.memory_space<semaphore_mem>>, %arg11: memref<!tpu.dma_semaphore, #tpu.memory_space<semaphore_mem>>, %arg12: memref<!tpu.dma_semaphore, #tpu.memory_space<semaphore_mem>>, %arg13: memref<2048xf32, #tpu.memory_space<vmem>>) attributes {dimension_semantics = [#tpu.dimension_semantics<core_parallel>, #tpu.dimension_semantics<subcore_parallel>], iteration_bounds = array<i64: 2, 16>, scalar_prefetch = 0 : i64, scratch_operands = 9 : i64, tpu.core_type = #tpu.core_type<sc_vector_subcore>, window_params = [{transform_indices = #map}, {transform_indices = #map1}, {transform_indices = #map1}]} {
    %mul3A = arith.constant 2 : i32
    %mul3A_0 = arith.muli %arg1, %mul3A : i32
    %add3A = arith.addi %mul3A_0, %arg0 : i32
    %sub3A = arith.constant 7812 : i32
    %sub3A_1 = arith.subi %sub3A, %add3A : i32
    %add3A_2 = arith.constant 32 : i32
    %add3A_3 = arith.addi %sub3A_1, %add3A_2 : i32
    %sub3A_4 = arith.constant 1 : i32
    %sub3A_5 = arith.subi %add3A_3, %sub3A_4 : i32
    %jit3A = arith.constant 32 : i32
    %div3A = arith.divsi %sub3A_5, %jit3A : i32
    %sign3A = arith.constant 0 : i32
    %sign3A_6 = arith.cmpi sgt, %sub3A_5, %sign3A : i32
    %sign3A_7 = arith.extui %sign3A_6 : i1 to i32
    %sign3A_8 = arith.constant 0 : i32
    %sign3A_9 = arith.cmpi slt, %sub3A_5, %sign3A_8 : i32
    %sign3A_10 = arith.extui %sign3A_9 : i1 to i32
    %sign3A_11 = arith.subi %sign3A_7, %sign3A_10 : i32
    %sign3A_12 = arith.constant 0 : i32
    %sign3A_13 = arith.cmpi sgt, %jit3A, %sign3A_12 : i32
    %sign3A_14 = arith.extui %sign3A_13 : i1 to i32
    %sign3A_15 = arith.constant 0 : i32
    %sign3A_16 = arith.cmpi slt, %jit3A, %sign3A_15 : i32
    %sign3A_17 = arith.extui %sign3A_16 : i1 to i32
    %sign3A_18 = arith.subi %sign3A_14, %sign3A_17 : i32
    %ne3A = arith.cmpi ne, %sign3A_11, %sign3A_18 : i32
    %rem3A = arith.remsi %sub3A_5, %jit3A : i32
    %ne3A_19 = arith.constant 0 : i32
    %ne3A_20 = arith.cmpi ne, %rem3A, %ne3A_19 : i32
    %and3A = arith.andi %ne3A, %ne3A_20 : i1
    %sub3A_21 = arith.constant 1 : i32
    %sub3A_22 = arith.subi %div3A, %sub3A_21 : i32
    %select_n3A = arith.select %and3A, %sub3A_22, %div3A : i32
    %iota3A = tpu.iota {dimensions = array<i32: 0>} : vector<16xi32>
    %add3A_23 = arith.constant 16 : i32
    %add3A_24 = vector.broadcast %add3A_23 : i32 to vector<16xi32>
    %add3A_25 = arith.addi %iota3A, %add3A_24 : vector<16xi32>
    %gt3A = arith.constant 0 : i32
    %gt3A_26 = arith.cmpi sgt, %select_n3A, %gt3A : i32
    %convert_element_type3A = arith.extui %gt3A_26 : i1 to i32
    %cond3A = arith.constant 0 : i32
    %cond3A_27 = arith.cmpi ne, %convert_element_type3A, %cond3A : i32
    scf.if %cond3A_27 {
      %add3A_80 = arith.constant 0 : i32
      %add3A_81 = arith.addi %add3A, %add3A_80 : i32
      %mul3A_82 = arith.constant 128 : i32
      %mul3A_83 = arith.muli %add3A_81, %mul3A_82 : i32
      %dma_start3A = arith.constant 0 : i32
      %dma_start3A_84 = tpu.memref_slice %arg2[%dma_start3A, %mul3A_83] : memref<32x1000000xf32, #tpu.memory_space<hbm>> -> memref<32x128xf32, #tpu.memory_space<hbm>>
      %dma_start3A_85 = arith.constant 0 : i32
      %dma_start3A_86 = tpu.memref_slice %arg2[%dma_start3A_85, %mul3A_83] : memref<32x1000000xf32, #tpu.memory_space<hbm>> -> memref<32x128xf32, #tpu.memory_space<hbm>>
      tpu.enqueue_dma source(%dma_start3A_86 : memref<32x128xf32, #tpu.memory_space<hbm>>) target(%arg5 : memref<32x128xf32, #tpu.memory_space<vmem>>) target_semaphore(%arg9 : memref<!tpu.dma_semaphore, #tpu.memory_space<semaphore_mem>>)
    } else {
    }
    %add3A_28 = arith.constant 1 : i32
    %add3A_29 = arith.addi %select_n3A, %add3A_28 : i32
    %jit3A_30 = arith.constant 2 : i32
    %div3A_31 = arith.divsi %add3A_29, %jit3A_30 : i32
    %sign3A_32 = arith.constant 0 : i32
    %sign3A_33 = arith.cmpi sgt, %add3A_29, %sign3A_32 : i32
    %sign3A_34 = arith.extui %sign3A_33 : i1 to i32
    %sign3A_35 = arith.constant 0 : i32
    %sign3A_36 = arith.cmpi slt, %add3A_29, %sign3A_35 : i32
    %sign3A_37 = arith.extui %sign3A_36 : i1 to i32
    %sign3A_38 = arith.subi %sign3A_34, %sign3A_37 : i32
    %sign3A_39 = arith.constant 0 : i32
    %sign3A_40 = arith.cmpi sgt, %jit3A_30, %sign3A_39 : i32
    %sign3A_41 = arith.extui %sign3A_40 : i1 to i32
    %sign3A_42 = arith.constant 0 : i32
    %sign3A_43 = arith.cmpi slt, %jit3A_30, %sign3A_42 : i32
    %sign3A_44 = arith.extui %sign3A_43 : i1 to i32
    %sign3A_45 = arith.subi %sign3A_41, %sign3A_44 : i32
    %ne3A_46 = arith.cmpi ne, %sign3A_38, %sign3A_45 : i32
    %rem3A_47 = arith.remsi %add3A_29, %jit3A_30 : i32
    %ne3A_48 = arith.constant 0 : i32
    %ne3A_49 = arith.cmpi ne, %rem3A_47, %ne3A_48 : i32
    %and3A_50 = arith.andi %ne3A_46, %ne3A_49 : i1
    %sub3A_51 = arith.constant 1 : i32
    %sub3A_52 = arith.subi %div3A_31, %sub3A_51 : i32
    %select_n3A_53 = arith.select %and3A_50, %sub3A_52, %div3A_31 : i32
    %while3A = arith.constant 0 : i32
    %while3A_54 = arith.constant 0 : i32
    %while3A_55 = arith.subi %select_n3A_53, %while3A : i32
    %while3A_56 = arith.addi %while3A, %while3A_55 : i32
    %while3A_57 = arith.constant 1 : i32
    %while3A_58 = arith.divsi %while3A_55, %while3A_57 : i32
    %while3A_59 = arith.muli %while3A_58, %while3A_57 : i32
    %while3A_60 = arith.addi %while3A, %while3A_59 : i32
    %while3A_61 = arith.constant 1 : i32
    %while3A_62 = scf.for %while3A_80 = %while3A to %while3A_60 step %while3A_61 iter_args(%while3A_81 = %while3A_54) -> (i32)  : i32 {
      %mul3A_82 = arith.constant 2 : i32
      %mul3A_83 = arith.muli %while3A_80, %mul3A_82 : i32
      %add3A_84 = arith.constant 0 : i32
      %add3A_85 = arith.addi %mul3A_83, %add3A_84 : i32
      %lt3A = arith.cmpi slt, %add3A_85, %select_n3A : i32
      %convert_element_type3A_86 = arith.extui %lt3A : i1 to i32
      %cond3A_87 = arith.constant 0 : i32
      %cond3A_88 = arith.cmpi ne, %convert_element_type3A_86, %cond3A_87 : i32
      scf.if %cond3A_88 {
        %add3A_96 = arith.constant 1 : i32
        %add3A_97 = arith.addi %add3A_85, %add3A_96 : i32
        %lt3A_98 = arith.cmpi slt, %add3A_97, %select_n3A : i32
        %convert_element_type3A_99 = arith.extui %lt3A_98 : i1 to i32
        %cond3A_100 = arith.constant 0 : i32
        %cond3A_101 = arith.cmpi ne, %convert_element_type3A_99, %cond3A_100 : i32
        scf.if %cond3A_101 {
          %add3A_125 = arith.constant 1 : i32
          %add3A_126 = arith.addi %add3A_85, %add3A_125 : i32
          %mul3A_127 = arith.constant 32 : i32
          %mul3A_128 = arith.muli %add3A_126, %mul3A_127 : i32
          %add3A_129 = arith.addi %add3A, %mul3A_128 : i32
          %mul3A_130 = arith.constant 128 : i32
          %mul3A_131 = arith.muli %add3A_129, %mul3A_130 : i32
          %dma_start3A_132 = arith.constant 0 : i32
          %dma_start3A_133 = tpu.memref_slice %arg2[%dma_start3A_132, %mul3A_131] : memref<32x1000000xf32, #tpu.memory_space<hbm>> -> memref<32x128xf32, #tpu.memory_space<hbm>>
          %dma_start3A_134 = arith.constant 0 : i32
          %dma_start3A_135 = tpu.memref_slice %arg2[%dma_start3A_134, %mul3A_131] : memref<32x1000000xf32, #tpu.memory_space<hbm>> -> memref<32x128xf32, #tpu.memory_space<hbm>>
          tpu.enqueue_dma source(%dma_start3A_135 : memref<32x128xf32, #tpu.memory_space<hbm>>) target(%arg6 : memref<32x128xf32, #tpu.memory_space<vmem>>) target_semaphore(%arg10 : memref<!tpu.dma_semaphore, #tpu.memory_space<semaphore_mem>>)
        } else {
        }
        %mul3A_102 = arith.constant 32 : i32
        %mul3A_103 = arith.muli %add3A_85, %mul3A_102 : i32
        %add3A_104 = arith.addi %add3A, %mul3A_103 : i32
        %mul3A_105 = arith.constant 128 : i32
        %mul3A_106 = arith.muli %add3A_104, %mul3A_105 : i32
        %dma_wait3A_107 = arith.constant 0 : i32
        %dma_wait3A_108 = tpu.memref_slice %arg2[%dma_wait3A_107, %mul3A_106] : memref<32x1000000xf32, #tpu.memory_space<hbm>> -> memref<32x128xf32, #tpu.memory_space<hbm>>
        %dma_wait3A_109 = arith.constant 0 : i32
        %dma_wait3A_110 = tpu.memref_slice %arg2[%dma_wait3A_109, %mul3A_106] : memref<32x1000000xf32, #tpu.memory_space<hbm>> -> memref<32x128xf32, #tpu.memory_space<hbm>>
        tpu.wait_dma2 semaphore(%arg9 : memref<!tpu.dma_semaphore, #tpu.memory_space<semaphore_mem>>) src(%dma_wait3A_110 : memref<32x128xf32, #tpu.memory_space<hbm>>) dst(%arg5 : memref<32x128xf32, #tpu.memory_space<vmem>>)
        %ge3A = arith.constant 2 : i32
        %ge3A_111 = arith.cmpi sge, %add3A_85, %ge3A : i32
        %convert_element_type3A_112 = arith.extui %ge3A_111 : i1 to i32
        %cond3A_113 = arith.constant 0 : i32
        %cond3A_114 = arith.cmpi ne, %convert_element_type3A_112, %cond3A_113 : i32
        scf.if %cond3A_114 {
          %sub3A_125 = arith.constant 2 : i32
          %sub3A_126 = arith.subi %add3A_85, %sub3A_125 : i32
          %mul3A_127 = arith.constant 32 : i32
          %mul3A_128 = arith.muli %sub3A_126, %mul3A_127 : i32
          %add3A_129 = arith.addi %add3A, %mul3A_128 : i32
          %mul3A_130 = arith.constant 4096 : i32
          %mul3A_131 = arith.muli %add3A_129, %mul3A_130 : i32
          %dma_wait3A_132 = tpu.memref_slice %arg4[%mul3A_131] : memref<32000000xf32, #tpu.memory_space<hbm>> -> memref<4096xf32, #tpu.memory_space<hbm>>
          %dma_wait3A_133 = tpu.memref_slice %arg4[%mul3A_131] : memref<32000000xf32, #tpu.memory_space<hbm>> -> memref<4096xf32, #tpu.memory_space<hbm>>
          tpu.wait_dma2 semaphore(%arg11 : memref<!tpu.dma_semaphore, #tpu.memory_space<semaphore_mem>>) src(%arg7 : memref<4096xf32, #tpu.memory_space<vmem>>) dst(%dma_wait3A_133 : memref<4096xf32, #tpu.memory_space<hbm>>)
        } else {
        }
        %broadcast_in_dim3A = arith.constant 0 : i32
        %broadcast_in_dim3A_115 = vector.broadcast %broadcast_in_dim3A : i32 to vector<16xi32>
        %parallel_loop3A = arith.constant 0 : i32
        %parallel_loop3A_116 = arith.constant 128 : i32
        %parallel_loop3A_117 = arith.constant 1 : i32
        %parallel_loop3A_118 = scf.for %parallel_loop3A_125 = %parallel_loop3A to %parallel_loop3A_116 step %parallel_loop3A_117 iter_args(%parallel_loop3A_126 = %broadcast_in_dim3A_115) -> (vector<16xi32>)  : i32 {
          %parallel_loop3A_127 = tpu.vector_load_idx %arg5[%iota3A, %parallel_loop3A_126] : memref<32x128xf32, #tpu.memory_space<vmem>>[vector<16xi32>, vector<16xi32>], vector<16xf32>,
          %parallel_loop3A_128 = tpu.vector_load_idx %arg5[%add3A_25, %parallel_loop3A_126] : memref<32x128xf32, #tpu.memory_space<vmem>>[vector<16xi32>, vector<16xi32>], vector<16xf32>,
          %parallel_loop3A_129 = arith.constant 32 : i32
          %parallel_loop3A_130 = arith.muli %parallel_loop3A_125, %parallel_loop3A_129 : i32
          %parallel_loop3A_131 = arith.index_cast %parallel_loop3A_130 : i32 to index
          %parallel_loop3A_132 = tpu.vector_load %arg7[%parallel_loop3A_131] {strides = array<i32>} : memref<4096xf32, #tpu.memory_space<vmem>>, vector<16xf32>,
          tpu.vector_store %arg7[%parallel_loop3A_131], %parallel_loop3A_127 {strides = array<i32>} : memref<4096xf32, #tpu.memory_space<vmem>>, vector<16xf32>,
          %parallel_loop3A_133 = arith.constant 32 : i32
          %parallel_loop3A_134 = arith.muli %parallel_loop3A_125, %parallel_loop3A_133 : i32
          %parallel_loop3A_135 = arith.constant 16 : i32
          %parallel_loop3A_136 = arith.addi %parallel_loop3A_134, %parallel_loop3A_135 : i32
          %parallel_loop3A_137 = arith.index_cast %parallel_loop3A_136 : i32 to index
          %parallel_loop3A_138 = tpu.vector_load %arg7[%parallel_loop3A_137] {strides = array<i32>} : memref<4096xf32, #tpu.memory_space<vmem>>, vector<16xf32>,
          tpu.vector_store %arg7[%parallel_loop3A_137], %parallel_loop3A_128 {strides = array<i32>} : memref<4096xf32, #tpu.memory_space<vmem>>, vector<16xf32>,
          %parallel_loop3A_139 = arith.constant 1 : i32
          %parallel_loop3A_140 = vector.broadcast %parallel_loop3A_139 : i32 to vector<16xi32>
          %parallel_loop3A_141 = arith.addi %parallel_loop3A_126, %parallel_loop3A_140 : vector<16xi32>
          scf.yield %parallel_loop3A_141 : vector<16xi32>
        } {sc.loop_unroll_factor = 8 : i64, sc.parallel_access}
        %mul3A_119 = arith.constant 32 : i32
        %mul3A_120 = arith.muli %add3A_85, %mul3A_119 : i32
        %add3A_121 = arith.addi %add3A, %mul3A_120 : i32
        %mul3A_122 = arith.constant 4096 : i32
        %mul3A_123 = arith.muli %add3A_121, %mul3A_122 : i32
        %dma_start3A = tpu.memref_slice %arg4[%mul3A_123] : memref<32000000xf32, #tpu.memory_space<hbm>> -> memref<4096xf32, #tpu.memory_space<hbm>>
        %dma_start3A_124 = tpu.memref_slice %arg4[%mul3A_123] : memref<32000000xf32, #tpu.memory_space<hbm>> -> memref<4096xf32, #tpu.memory_space<hbm>>
        tpu.enqueue_dma source(%arg7 : memref<4096xf32, #tpu.memory_space<vmem>>) target(%dma_start3A_124 : memref<4096xf32, #tpu.memory_space<hbm>>) target_semaphore(%arg11 : memref<!tpu.dma_semaphore, #tpu.memory_space<semaphore_mem>>)
      } else {
      }
      %add3A_89 = arith.constant 1 : i32
      %add3A_90 = arith.addi %mul3A_83, %add3A_89 : i32
      %lt3A_91 = arith.cmpi slt, %add3A_90, %select_n3A : i32
      %convert_element_type3A_92 = arith.extui %lt3A_91 : i1 to i32
      %cond3A_93 = arith.constant 0 : i32
      %cond3A_94 = arith.cmpi ne, %convert_element_type3A_92, %cond3A_93 : i32
      scf.if %cond3A_94 {
        %add3A_96 = arith.constant 1 : i32
        %add3A_97 = arith.addi %add3A_90, %add3A_96 : i32
        %lt3A_98 = arith.cmpi slt, %add3A_97, %select_n3A : i32
        %convert_element_type3A_99 = arith.extui %lt3A_98 : i1 to i32
        %cond3A_100 = arith.constant 0 : i32
        %cond3A_101 = arith.cmpi ne, %convert_element_type3A_99, %cond3A_100 : i32
        scf.if %cond3A_101 {
          %add3A_125 = arith.constant 1 : i32
          %add3A_126 = arith.addi %add3A_90, %add3A_125 : i32
          %mul3A_127 = arith.constant 32 : i32
          %mul3A_128 = arith.muli %add3A_126, %mul3A_127 : i32
          %add3A_129 = arith.addi %add3A, %mul3A_128 : i32
          %mul3A_130 = arith.constant 128 : i32
          %mul3A_131 = arith.muli %add3A_129, %mul3A_130 : i32
          %dma_start3A_132 = arith.constant 0 : i32
          %dma_start3A_133 = tpu.memref_slice %arg2[%dma_start3A_132, %mul3A_131] : memref<32x1000000xf32, #tpu.memory_space<hbm>> -> memref<32x128xf32, #tpu.memory_space<hbm>>
          %dma_start3A_134 = arith.constant 0 : i32
          %dma_start3A_135 = tpu.memref_slice %arg2[%dma_start3A_134, %mul3A_131] : memref<32x1000000xf32, #tpu.memory_space<hbm>> -> memref<32x128xf32, #tpu.memory_space<hbm>>
          tpu.enqueue_dma source(%dma_start3A_135 : memref<32x128xf32, #tpu.memory_space<hbm>>) target(%arg5 : memref<32x128xf32, #tpu.memory_space<vmem>>) target_semaphore(%arg9 : memref<!tpu.dma_semaphore, #tpu.memory_space<semaphore_mem>>)
        } else {
        }
        %mul3A_102 = arith.constant 32 : i32
        %mul3A_103 = arith.muli %add3A_90, %mul3A_102 : i32
        %add3A_104 = arith.addi %add3A, %mul3A_103 : i32
        %mul3A_105 = arith.constant 128 : i32
        %mul3A_106 = arith.muli %add3A_104, %mul3A_105 : i32
        %dma_wait3A_107 = arith.constant 0 : i32
        %dma_wait3A_108 = tpu.memref_slice %arg2[%dma_wait3A_107, %mul3A_106] : memref<32x1000000xf32, #tpu.memory_space<hbm>> -> memref<32x128xf32, #tpu.memory_space<hbm>>
        %dma_wait3A_109 = arith.constant 0 : i32
        %dma_wait3A_110 = tpu.memref_slice %arg2[%dma_wait3A_109, %mul3A_106] : memref<32x1000000xf32, #tpu.memory_space<hbm>> -> memref<32x128xf32, #tpu.memory_space<hbm>>
        tpu.wait_dma2 semaphore(%arg10 : memref<!tpu.dma_semaphore, #tpu.memory_space<semaphore_mem>>) src(%dma_wait3A_110 : memref<32x128xf32, #tpu.memory_space<hbm>>) dst(%arg6 : memref<32x128xf32, #tpu.memory_space<vmem>>)
        %ge3A = arith.constant 2 : i32
        %ge3A_111 = arith.cmpi sge, %add3A_90, %ge3A : i32
        %convert_element_type3A_112 = arith.extui %ge3A_111 : i1 to i32
        %cond3A_113 = arith.constant 0 : i32
        %cond3A_114 = arith.cmpi ne, %convert_element_type3A_112, %cond3A_113 : i32
        scf.if %cond3A_114 {
          %sub3A_125 = arith.constant 2 : i32
          %sub3A_126 = arith.subi %add3A_90, %sub3A_125 : i32
          %mul3A_127 = arith.constant 32 : i32
          %mul3A_128 = arith.muli %sub3A_126, %mul3A_127 : i32
          %add3A_129 = arith.addi %add3A, %mul3A_128 : i32
          %mul3A_130 = arith.constant 4096 : i32
          %mul3A_131 = arith.muli %add3A_129, %mul3A_130 : i32
          %dma_wait3A_132 = tpu.memref_slice %arg4[%mul3A_131] : memref<32000000xf32, #tpu.memory_space<hbm>> -> memref<4096xf32, #tpu.memory_space<hbm>>
          %dma_wait3A_133 = tpu.memref_slice %arg4[%mul3A_131] : memref<32000000xf32, #tpu.memory_space<hbm>> -> memref<4096xf32, #tpu.memory_space<hbm>>
          tpu.wait_dma2 semaphore(%arg12 : memref<!tpu.dma_semaphore, #tpu.memory_space<semaphore_mem>>) src(%arg8 : memref<4096xf32, #tpu.memory_space<vmem>>) dst(%dma_wait3A_133 : memref<4096xf32, #tpu.memory_space<hbm>>)
        } else {
        }
        %broadcast_in_dim3A = arith.constant 0 : i32
        %broadcast_in_dim3A_115 = vector.broadcast %broadcast_in_dim3A : i32 to vector<16xi32>
        %parallel_loop3A = arith.constant 0 : i32
        %parallel_loop3A_116 = arith.constant 128 : i32
        %parallel_loop3A_117 = arith.constant 1 : i32
        %parallel_loop3A_118 = scf.for %parallel_loop3A_125 = %parallel_loop3A to %parallel_loop3A_116 step %parallel_loop3A_117 iter_args(%parallel_loop3A_126 = %broadcast_in_dim3A_115) -> (vector<16xi32>)  : i32 {
          %parallel_loop3A_127 = tpu.vector_load_idx %arg6[%iota3A, %parallel_loop3A_126] : memref<32x128xf32, #tpu.memory_space<vmem>>[vector<16xi32>, vector<16xi32>], vector<16xf32>,
          %parallel_loop3A_128 = tpu.vector_load_idx %arg6[%add3A_25, %parallel_loop3A_126] : memref<32x128xf32, #tpu.memory_space<vmem>>[vector<16xi32>, vector<16xi32>], vector<16xf32>,
          %parallel_loop3A_129 = arith.constant 32 : i32
          %parallel_loop3A_130 = arith.muli %parallel_loop3A_125, %parallel_loop3A_129 : i32
          %parallel_loop3A_131 = arith.index_cast %parallel_loop3A_130 : i32 to index
          %parallel_loop3A_132 = tpu.vector_load %arg8[%parallel_loop3A_131] {strides = array<i32>} : memref<4096xf32, #tpu.memory_space<vmem>>, vector<16xf32>,
          tpu.vector_store %arg8[%parallel_loop3A_131], %parallel_loop3A_127 {strides = array<i32>} : memref<4096xf32, #tpu.memory_space<vmem>>, vector<16xf32>,
          %parallel_loop3A_133 = arith.constant 32 : i32
          %parallel_loop3A_134 = arith.muli %parallel_loop3A_125, %parallel_loop3A_133 : i32
          %parallel_loop3A_135 = arith.constant 16 : i32
          %parallel_loop3A_136 = arith.addi %parallel_loop3A_134, %parallel_loop3A_135 : i32
          %parallel_loop3A_137 = arith.index_cast %parallel_loop3A_136 : i32 to index
          %parallel_loop3A_138 = tpu.vector_load %arg8[%parallel_loop3A_137] {strides = array<i32>} : memref<4096xf32, #tpu.memory_space<vmem>>, vector<16xf32>,
          tpu.vector_store %arg8[%parallel_loop3A_137], %parallel_loop3A_128 {strides = array<i32>} : memref<4096xf32, #tpu.memory_space<vmem>>, vector<16xf32>,
          %parallel_loop3A_139 = arith.constant 1 : i32
          %parallel_loop3A_140 = vector.broadcast %parallel_loop3A_139 : i32 to vector<16xi32>
          %parallel_loop3A_141 = arith.addi %parallel_loop3A_126, %parallel_loop3A_140 : vector<16xi32>
          scf.yield %parallel_loop3A_141 : vector<16xi32>
        } {sc.loop_unroll_factor = 8 : i64, sc.parallel_access}
        %mul3A_119 = arith.constant 32 : i32
        %mul3A_120 = arith.muli %add3A_90, %mul3A_119 : i32
        %add3A_121 = arith.addi %add3A, %mul3A_120 : i32
        %mul3A_122 = arith.constant 4096 : i32
        %mul3A_123 = arith.muli %add3A_121, %mul3A_122 : i32
        %dma_start3A = tpu.memref_slice %arg4[%mul3A_123] : memref<32000000xf32, #tpu.memory_space<hbm>> -> memref<4096xf32, #tpu.memory_space<hbm>>
        %dma_start3A_124 = tpu.memref_slice %arg4[%mul3A_123] : memref<32000000xf32, #tpu.memory_space<hbm>> -> memref<4096xf32, #tpu.memory_space<hbm>>
        tpu.enqueue_dma source(%arg8 : memref<4096xf32, #tpu.memory_space<vmem>>) target(%dma_start3A_124 : memref<4096xf32, #tpu.memory_space<hbm>>) target_semaphore(%arg12 : memref<!tpu.dma_semaphore, #tpu.memory_space<semaphore_mem>>)
      } else {
      }
      %while3A_95 = arith.constant 0 : i32
      scf.yield %while3A_95 : i32
    }
    %while3A_63 = arith.constant 1 : i32
    %while3A_64 = scf.for %while3A_80 = %while3A_60 to %while3A_56 step %while3A_63 iter_args(%while3A_81 = %while3A_62) -> (i32)  : i32 {
      %mul3A_82 = arith.constant 2 : i32
      %mul3A_83 = arith.muli %while3A_80, %mul3A_82 : i32
      %add3A_84 = arith.constant 0 : i32
      %add3A_85 = arith.addi %mul3A_83, %add3A_84 : i32
      %lt3A = arith.cmpi slt, %add3A_85, %select_n3A : i32
      %convert_element_type3A_86 = arith.extui %lt3A : i1 to i32
      %cond3A_87 = arith.constant 0 : i32
      %cond3A_88 = arith.cmpi ne, %convert_element_type3A_86, %cond3A_87 : i32
      scf.if %cond3A_88 {
        %add3A_96 = arith.constant 1 : i32
        %add3A_97 = arith.addi %add3A_85, %add3A_96 : i32
        %lt3A_98 = arith.cmpi slt, %add3A_97, %select_n3A : i32
        %convert_element_type3A_99 = arith.extui %lt3A_98 : i1 to i32
        %cond3A_100 = arith.constant 0 : i32
        %cond3A_101 = arith.cmpi ne, %convert_element_type3A_99, %cond3A_100 : i32
        scf.if %cond3A_101 {
          %add3A_125 = arith.constant 1 : i32
          %add3A_126 = arith.addi %add3A_85, %add3A_125 : i32
          %mul3A_127 = arith.constant 32 : i32
          %mul3A_128 = arith.muli %add3A_126, %mul3A_127 : i32
          %add3A_129 = arith.addi %add3A, %mul3A_128 : i32
          %mul3A_130 = arith.constant 128 : i32
          %mul3A_131 = arith.muli %add3A_129, %mul3A_130 : i32
          %dma_start3A_132 = arith.constant 0 : i32
          %dma_start3A_133 = tpu.memref_slice %arg2[%dma_start3A_132, %mul3A_131] : memref<32x1000000xf32, #tpu.memory_space<hbm>> -> memref<32x128xf32, #tpu.memory_space<hbm>>
          %dma_start3A_134 = arith.constant 0 : i32
          %dma_start3A_135 = tpu.memref_slice %arg2[%dma_start3A_134, %mul3A_131] : memref<32x1000000xf32, #tpu.memory_space<hbm>> -> memref<32x128xf32, #tpu.memory_space<hbm>>
          tpu.enqueue_dma source(%dma_start3A_135 : memref<32x128xf32, #tpu.memory_space<hbm>>) target(%arg6 : memref<32x128xf32, #tpu.memory_space<vmem>>) target_semaphore(%arg10 : memref<!tpu.dma_semaphore, #tpu.memory_space<semaphore_mem>>)
        } else {
        }
        %mul3A_102 = arith.constant 32 : i32
        %mul3A_103 = arith.muli %add3A_85, %mul3A_102 : i32
        %add3A_104 = arith.addi %add3A, %mul3A_103 : i32
        %mul3A_105 = arith.constant 128 : i32
        %mul3A_106 = arith.muli %add3A_104, %mul3A_105 : i32
        %dma_wait3A_107 = arith.constant 0 : i32
        %dma_wait3A_108 = tpu.memref_slice %arg2[%dma_wait3A_107, %mul3A_106] : memref<32x1000000xf32, #tpu.memory_space<hbm>> -> memref<32x128xf32, #tpu.memory_space<hbm>>
        %dma_wait3A_109 = arith.constant 0 : i32
        %dma_wait3A_110 = tpu.memref_slice %arg2[%dma_wait3A_109, %mul3A_106] : memref<32x1000000xf32, #tpu.memory_space<hbm>> -> memref<32x128xf32, #tpu.memory_space<hbm>>
        tpu.wait_dma2 semaphore(%arg9 : memref<!tpu.dma_semaphore, #tpu.memory_space<semaphore_mem>>) src(%dma_wait3A_110 : memref<32x128xf32, #tpu.memory_space<hbm>>) dst(%arg5 : memref<32x128xf32, #tpu.memory_space<vmem>>)
        %ge3A = arith.constant 2 : i32
        %ge3A_111 = arith.cmpi sge, %add3A_85, %ge3A : i32
        %convert_element_type3A_112 = arith.extui %ge3A_111 : i1 to i32
        %cond3A_113 = arith.constant 0 : i32
        %cond3A_114 = arith.cmpi ne, %convert_element_type3A_112, %cond3A_113 : i32
        scf.if %cond3A_114 {
          %sub3A_125 = arith.constant 2 : i32
          %sub3A_126 = arith.subi %add3A_85, %sub3A_125 : i32
          %mul3A_127 = arith.constant 32 : i32
          %mul3A_128 = arith.muli %sub3A_126, %mul3A_127 : i32
          %add3A_129 = arith.addi %add3A, %mul3A_128 : i32
          %mul3A_130 = arith.constant 4096 : i32
          %mul3A_131 = arith.muli %add3A_129, %mul3A_130 : i32
          %dma_wait3A_132 = tpu.memref_slice %arg4[%mul3A_131] : memref<32000000xf32, #tpu.memory_space<hbm>> -> memref<4096xf32, #tpu.memory_space<hbm>>
          %dma_wait3A_133 = tpu.memref_slice %arg4[%mul3A_131] : memref<32000000xf32, #tpu.memory_space<hbm>> -> memref<4096xf32, #tpu.memory_space<hbm>>
          tpu.wait_dma2 semaphore(%arg11 : memref<!tpu.dma_semaphore, #tpu.memory_space<semaphore_mem>>) src(%arg7 : memref<4096xf32, #tpu.memory_space<vmem>>) dst(%dma_wait3A_133 : memref<4096xf32, #tpu.memory_space<hbm>>)
        } else {
        }
        %broadcast_in_dim3A = arith.constant 0 : i32
        %broadcast_in_dim3A_115 = vector.broadcast %broadcast_in_dim3A : i32 to vector<16xi32>
        %parallel_loop3A = arith.constant 0 : i32
        %parallel_loop3A_116 = arith.constant 128 : i32
        %parallel_loop3A_117 = arith.constant 1 : i32
        %parallel_loop3A_118 = scf.for %parallel_loop3A_125 = %parallel_loop3A to %parallel_loop3A_116 step %parallel_loop3A_117 iter_args(%parallel_loop3A_126 = %broadcast_in_dim3A_115) -> (vector<16xi32>)  : i32 {
          %parallel_loop3A_127 = tpu.vector_load_idx %arg5[%iota3A, %parallel_loop3A_126] : memref<32x128xf32, #tpu.memory_space<vmem>>[vector<16xi32>, vector<16xi32>], vector<16xf32>,
          %parallel_loop3A_128 = tpu.vector_load_idx %arg5[%add3A_25, %parallel_loop3A_126] : memref<32x128xf32, #tpu.memory_space<vmem>>[vector<16xi32>, vector<16xi32>], vector<16xf32>,
          %parallel_loop3A_129 = arith.constant 32 : i32
          %parallel_loop3A_130 = arith.muli %parallel_loop3A_125, %parallel_loop3A_129 : i32
          %parallel_loop3A_131 = arith.index_cast %parallel_loop3A_130 : i32 to index
          %parallel_loop3A_132 = tpu.vector_load %arg7[%parallel_loop3A_131] {strides = array<i32>} : memref<4096xf32, #tpu.memory_space<vmem>>, vector<16xf32>,
          tpu.vector_store %arg7[%parallel_loop3A_131], %parallel_loop3A_127 {strides = array<i32>} : memref<4096xf32, #tpu.memory_space<vmem>>, vector<16xf32>,
          %parallel_loop3A_133 = arith.constant 32 : i32
          %parallel_loop3A_134 = arith.muli %parallel_loop3A_125, %parallel_loop3A_133 : i32
          %parallel_loop3A_135 = arith.constant 16 : i32
          %parallel_loop3A_136 = arith.addi %parallel_loop3A_134, %parallel_loop3A_135 : i32
          %parallel_loop3A_137 = arith.index_cast %parallel_loop3A_136 : i32 to index
          %parallel_loop3A_138 = tpu.vector_load %arg7[%parallel_loop3A_137] {strides = array<i32>} : memref<4096xf32, #tpu.memory_space<vmem>>, vector<16xf32>,
          tpu.vector_store %arg7[%parallel_loop3A_137], %parallel_loop3A_128 {strides = array<i32>} : memref<4096xf32, #tpu.memory_space<vmem>>, vector<16xf32>,
          %parallel_loop3A_139 = arith.constant 1 : i32
          %parallel_loop3A_140 = vector.broadcast %parallel_loop3A_139 : i32 to vector<16xi32>
          %parallel_loop3A_141 = arith.addi %parallel_loop3A_126, %parallel_loop3A_140 : vector<16xi32>
          scf.yield %parallel_loop3A_141 : vector<16xi32>
        } {sc.loop_unroll_factor = 8 : i64, sc.parallel_access}
        %mul3A_119 = arith.constant 32 : i32
        %mul3A_120 = arith.muli %add3A_85, %mul3A_119 : i32
        %add3A_121 = arith.addi %add3A, %mul3A_120 : i32
        %mul3A_122 = arith.constant 4096 : i32
        %mul3A_123 = arith.muli %add3A_121, %mul3A_122 : i32
        %dma_start3A = tpu.memref_slice %arg4[%mul3A_123] : memref<32000000xf32, #tpu.memory_space<hbm>> -> memref<4096xf32, #tpu.memory_space<hbm>>
        %dma_start3A_124 = tpu.memref_slice %arg4[%mul3A_123] : memref<32000000xf32, #tpu.memory_space<hbm>> -> memref<4096xf32, #tpu.memory_space<hbm>>
        tpu.enqueue_dma source(%arg7 : memref<4096xf32, #tpu.memory_space<vmem>>) target(%dma_start3A_124 : memref<4096xf32, #tpu.memory_space<hbm>>) target_semaphore(%arg11 : memref<!tpu.dma_semaphore, #tpu.memory_space<semaphore_mem>>)
      } else {
      }
      %add3A_89 = arith.constant 1 : i32
      %add3A_90 = arith.addi %mul3A_83, %add3A_89 : i32
      %lt3A_91 = arith.cmpi slt, %add3A_90, %select_n3A : i32
      %convert_element_type3A_92 = arith.extui %lt3A_91 : i1 to i32
      %cond3A_93 = arith.constant 0 : i32
      %cond3A_94 = arith.cmpi ne, %convert_element_type3A_92, %cond3A_93 : i32
      scf.if %cond3A_94 {
        %add3A_96 = arith.constant 1 : i32
        %add3A_97 = arith.addi %add3A_90, %add3A_96 : i32
        %lt3A_98 = arith.cmpi slt, %add3A_97, %select_n3A : i32
        %convert_element_type3A_99 = arith.extui %lt3A_98 : i1 to i32
        %cond3A_100 = arith.constant 0 : i32
        %cond3A_101 = arith.cmpi ne, %convert_element_type3A_99, %cond3A_100 : i32
        scf.if %cond3A_101 {
          %add3A_125 = arith.constant 1 : i32
          %add3A_126 = arith.addi %add3A_90, %add3A_125 : i32
          %mul3A_127 = arith.constant 32 : i32
          %mul3A_128 = arith.muli %add3A_126, %mul3A_127 : i32
          %add3A_129 = arith.addi %add3A, %mul3A_128 : i32
          %mul3A_130 = arith.constant 128 : i32
          %mul3A_131 = arith.muli %add3A_129, %mul3A_130 : i32
          %dma_start3A_132 = arith.constant 0 : i32
          %dma_start3A_133 = tpu.memref_slice %arg2[%dma_start3A_132, %mul3A_131] : memref<32x1000000xf32, #tpu.memory_space<hbm>> -> memref<32x128xf32, #tpu.memory_space<hbm>>
          %dma_start3A_134 = arith.constant 0 : i32
          %dma_start3A_135 = tpu.memref_slice %arg2[%dma_start3A_134, %mul3A_131] : memref<32x1000000xf32, #tpu.memory_space<hbm>> -> memref<32x128xf32, #tpu.memory_space<hbm>>
          tpu.enqueue_dma source(%dma_start3A_135 : memref<32x128xf32, #tpu.memory_space<hbm>>) target(%arg5 : memref<32x128xf32, #tpu.memory_space<vmem>>) target_semaphore(%arg9 : memref<!tpu.dma_semaphore, #tpu.memory_space<semaphore_mem>>)
        } else {
        }
        %mul3A_102 = arith.constant 32 : i32
        %mul3A_103 = arith.muli %add3A_90, %mul3A_102 : i32
        %add3A_104 = arith.addi %add3A, %mul3A_103 : i32
        %mul3A_105 = arith.constant 128 : i32
        %mul3A_106 = arith.muli %add3A_104, %mul3A_105 : i32
        %dma_wait3A_107 = arith.constant 0 : i32
        %dma_wait3A_108 = tpu.memref_slice %arg2[%dma_wait3A_107, %mul3A_106] : memref<32x1000000xf32, #tpu.memory_space<hbm>> -> memref<32x128xf32, #tpu.memory_space<hbm>>
        %dma_wait3A_109 = arith.constant 0 : i32
        %dma_wait3A_110 = tpu.memref_slice %arg2[%dma_wait3A_109, %mul3A_106] : memref<32x1000000xf32, #tpu.memory_space<hbm>> -> memref<32x128xf32, #tpu.memory_space<hbm>>
        tpu.wait_dma2 semaphore(%arg10 : memref<!tpu.dma_semaphore, #tpu.memory_space<semaphore_mem>>) src(%dma_wait3A_110 : memref<32x128xf32, #tpu.memory_space<hbm>>) dst(%arg6 : memref<32x128xf32, #tpu.memory_space<vmem>>)
        %ge3A = arith.constant 2 : i32
        %ge3A_111 = arith.cmpi sge, %add3A_90, %ge3A : i32
        %convert_element_type3A_112 = arith.extui %ge3A_111 : i1 to i32
        %cond3A_113 = arith.constant 0 : i32
        %cond3A_114 = arith.cmpi ne, %convert_element_type3A_112, %cond3A_113 : i32
        scf.if %cond3A_114 {
          %sub3A_125 = arith.constant 2 : i32
          %sub3A_126 = arith.subi %add3A_90, %sub3A_125 : i32
          %mul3A_127 = arith.constant 32 : i32
          %mul3A_128 = arith.muli %sub3A_126, %mul3A_127 : i32
          %add3A_129 = arith.addi %add3A, %mul3A_128 : i32
          %mul3A_130 = arith.constant 4096 : i32
          %mul3A_131 = arith.muli %add3A_129, %mul3A_130 : i32
          %dma_wait3A_132 = tpu.memref_slice %arg4[%mul3A_131] : memref<32000000xf32, #tpu.memory_space<hbm>> -> memref<4096xf32, #tpu.memory_space<hbm>>
          %dma_wait3A_133 = tpu.memref_slice %arg4[%mul3A_131] : memref<32000000xf32, #tpu.memory_space<hbm>> -> memref<4096xf32, #tpu.memory_space<hbm>>
          tpu.wait_dma2 semaphore(%arg12 : memref<!tpu.dma_semaphore, #tpu.memory_space<semaphore_mem>>) src(%arg8 : memref<4096xf32, #tpu.memory_space<vmem>>) dst(%dma_wait3A_133 : memref<4096xf32, #tpu.memory_space<hbm>>)
        } else {
        }
        %broadcast_in_dim3A = arith.constant 0 : i32
        %broadcast_in_dim3A_115 = vector.broadcast %broadcast_in_dim3A : i32 to vector<16xi32>
        %parallel_loop3A = arith.constant 0 : i32
        %parallel_loop3A_116 = arith.constant 128 : i32
        %parallel_loop3A_117 = arith.constant 1 : i32
        %parallel_loop3A_118 = scf.for %parallel_loop3A_125 = %parallel_loop3A to %parallel_loop3A_116 step %parallel_loop3A_117 iter_args(%parallel_loop3A_126 = %broadcast_in_dim3A_115) -> (vector<16xi32>)  : i32 {
          %parallel_loop3A_127 = tpu.vector_load_idx %arg6[%iota3A, %parallel_loop3A_126] : memref<32x128xf32, #tpu.memory_space<vmem>>[vector<16xi32>, vector<16xi32>], vector<16xf32>,
          %parallel_loop3A_128 = tpu.vector_load_idx %arg6[%add3A_25, %parallel_loop3A_126] : memref<32x128xf32, #tpu.memory_space<vmem>>[vector<16xi32>, vector<16xi32>], vector<16xf32>,
          %parallel_loop3A_129 = arith.constant 32 : i32
          %parallel_loop3A_130 = arith.muli %parallel_loop3A_125, %parallel_loop3A_129 : i32
          %parallel_loop3A_131 = arith.index_cast %parallel_loop3A_130 : i32 to index
          %parallel_loop3A_132 = tpu.vector_load %arg8[%parallel_loop3A_131] {strides = array<i32>} : memref<4096xf32, #tpu.memory_space<vmem>>, vector<16xf32>,
          tpu.vector_store %arg8[%parallel_loop3A_131], %parallel_loop3A_127 {strides = array<i32>} : memref<4096xf32, #tpu.memory_space<vmem>>, vector<16xf32>,
          %parallel_loop3A_133 = arith.constant 32 : i32
          %parallel_loop3A_134 = arith.muli %parallel_loop3A_125, %parallel_loop3A_133 : i32
          %parallel_loop3A_135 = arith.constant 16 : i32
          %parallel_loop3A_136 = arith.addi %parallel_loop3A_134, %parallel_loop3A_135 : i32
          %parallel_loop3A_137 = arith.index_cast %parallel_loop3A_136 : i32 to index
          %parallel_loop3A_138 = tpu.vector_load %arg8[%parallel_loop3A_137] {strides = array<i32>} : memref<4096xf32, #tpu.memory_space<vmem>>, vector<16xf32>,
          tpu.vector_store %arg8[%parallel_loop3A_137], %parallel_loop3A_128 {strides = array<i32>} : memref<4096xf32, #tpu.memory_space<vmem>>, vector<16xf32>,
          %parallel_loop3A_139 = arith.constant 1 : i32
          %parallel_loop3A_140 = vector.broadcast %parallel_loop3A_139 : i32 to vector<16xi32>
          %parallel_loop3A_141 = arith.addi %parallel_loop3A_126, %parallel_loop3A_140 : vector<16xi32>
          scf.yield %parallel_loop3A_141 : vector<16xi32>
        } {sc.loop_unroll_factor = 8 : i64, sc.parallel_access}
        %mul3A_119 = arith.constant 32 : i32
        %mul3A_120 = arith.muli %add3A_90, %mul3A_119 : i32
        %add3A_121 = arith.addi %add3A, %mul3A_120 : i32
        %mul3A_122 = arith.constant 4096 : i32
        %mul3A_123 = arith.muli %add3A_121, %mul3A_122 : i32
        %dma_start3A = tpu.memref_slice %arg4[%mul3A_123] : memref<32000000xf32, #tpu.memory_space<hbm>> -> memref<4096xf32, #tpu.memory_space<hbm>>
        %dma_start3A_124 = tpu.memref_slice %arg4[%mul3A_123] : memref<32000000xf32, #tpu.memory_space<hbm>> -> memref<4096xf32, #tpu.memory_space<hbm>>
        tpu.enqueue_dma source(%arg8 : memref<4096xf32, #tpu.memory_space<vmem>>) target(%dma_start3A_124 : memref<4096xf32, #tpu.memory_space<hbm>>) target_semaphore(%arg12 : memref<!tpu.dma_semaphore, #tpu.memory_space<semaphore_mem>>)
      } else {
      }
      %while3A_95 = arith.constant 0 : i32
      scf.yield %while3A_95 : i32
    }
    %add3A_65 = arith.constant 0 : i32
    %add3A_66 = arith.addi %add3A, %add3A_65 : i32
    %mul3A_67 = arith.constant 4096 : i32
    %mul3A_68 = arith.muli %add3A_66, %mul3A_67 : i32
    %dma_wait3A = tpu.memref_slice %arg4[%mul3A_68] : memref<32000000xf32, #tpu.memory_space<hbm>> -> memref<4096xf32, #tpu.memory_space<hbm>>
    %dma_wait3A_69 = tpu.memref_slice %arg4[%mul3A_68] : memref<32000000xf32, #tpu.memory_space<hbm>> -> memref<4096xf32, #tpu.memory_space<hbm>>
    tpu.wait_dma2 semaphore(%arg11 : memref<!tpu.dma_semaphore, #tpu.memory_space<semaphore_mem>>) src(%arg7 : memref<4096xf32, #tpu.memory_space<vmem>>) dst(%dma_wait3A_69 : memref<4096xf32, #tpu.memory_space<hbm>>)
    %add3A_70 = arith.constant 32 : i32
    %add3A_71 = arith.addi %add3A, %add3A_70 : i32
    %mul3A_72 = arith.constant 4096 : i32
    %mul3A_73 = arith.muli %add3A_71, %mul3A_72 : i32
    %dma_wait3A_74 = tpu.memref_slice %arg4[%mul3A_73] : memref<32000000xf32, #tpu.memory_space<hbm>> -> memref<4096xf32, #tpu.memory_space<hbm>>
    %dma_wait3A_75 = tpu.memref_slice %arg4[%mul3A_73] : memref<32000000xf32, #tpu.memory_space<hbm>> -> memref<4096xf32, #tpu.memory_space<hbm>>
    tpu.wait_dma2 semaphore(%arg12 : memref<!tpu.dma_semaphore, #tpu.memory_space<semaphore_mem>>) src(%arg8 : memref<4096xf32, #tpu.memory_space<vmem>>) dst(%dma_wait3A_75 : memref<4096xf32, #tpu.memory_space<hbm>>)
    %eq3A = arith.constant 31 : i32
    %eq3A_76 = arith.cmpi eq, %add3A, %eq3A : i32
    %convert_element_type3A_77 = arith.extui %eq3A_76 : i1 to i32
    %cond3A_78 = arith.constant 0 : i32
    %cond3A_79 = arith.cmpi ne, %convert_element_type3A_77, %cond3A_78 : i32
    scf.if %cond3A_79 {
      "tpu.region"() ({
        %run_scoped3A = tpu.sem_alloc : memref<!tpu.dma_semaphore, #tpu.memory_space<semaphore_mem>>
        tpu.enqueue_dma source(%arg3 : memref<2048xf32, #tpu.memory_space<hbm>>) target(%arg13 : memref<2048xf32, #tpu.memory_space<vmem>>) target_semaphore(%run_scoped3A : memref<!tpu.dma_semaphore, #tpu.memory_space<semaphore_mem>>)
        tpu.wait_dma2 semaphore(%run_scoped3A : memref<!tpu.dma_semaphore, #tpu.memory_space<semaphore_mem>>) src(%arg3 : memref<2048xf32, #tpu.memory_space<hbm>>) dst(%arg13 : memref<2048xf32, #tpu.memory_space<vmem>>)
        tpu.yield
      }) : () -> ()
      "tpu.region"() ({
        %run_scoped3A = tpu.sem_alloc : memref<!tpu.dma_semaphore, #tpu.memory_space<semaphore_mem>>
        %dma_start3A = arith.constant 31997952 : i32
        %dma_start3A_80 = tpu.memref_slice %arg4[%dma_start3A] : memref<32000000xf32, #tpu.memory_space<hbm>> -> memref<2048xf32, #tpu.memory_space<hbm>>
        %dma_start3A_81 = arith.constant 31997952 : i32
        %dma_start3A_82 = tpu.memref_slice %arg4[%dma_start3A_81] : memref<32000000xf32, #tpu.memory_space<hbm>> -> memref<2048xf32, #tpu.memory_space<hbm>>
        tpu.enqueue_dma source(%arg13 : memref<2048xf32, #tpu.memory_space<vmem>>) target(%dma_start3A_82 : memref<2048xf32, #tpu.memory_space<hbm>>) target_semaphore(%run_scoped3A : memref<!tpu.dma_semaphore, #tpu.memory_space<semaphore_mem>>)
        %dma_wait3A_83 = arith.constant 31997952 : i32
        %dma_wait3A_84 = tpu.memref_slice %arg4[%dma_wait3A_83] : memref<32000000xf32, #tpu.memory_space<hbm>> -> memref<2048xf32, #tpu.memory_space<hbm>>
        %dma_wait3A_85 = arith.constant 31997952 : i32
        %dma_wait3A_86 = tpu.memref_slice %arg4[%dma_wait3A_85] : memref<32000000xf32, #tpu.memory_space<hbm>> -> memref<2048xf32, #tpu.memory_space<hbm>>
        tpu.wait_dma2 semaphore(%run_scoped3A : memref<!tpu.dma_semaphore, #tpu.memory_space<semaphore_mem>>) src(%arg13 : memref<2048xf32, #tpu.memory_space<vmem>>) dst(%dma_wait3A_86 : memref<2048xf32, #tpu.memory_space<hbm>>)
        tpu.yield
      }) : () -> ()
    } else {
    }
    return
  }
}

</mosaic_0001>

<sc_bundles>
// kernel: kernel.4.cloned.1.call-start
scs
__scs_entry_jumppad:
0x0: {  	(pc) =	sbr.rel $0x88, $3  }
0x1: {  	(tag) =	ssettag $0x0;
	lr =	simm.s32 $0x1  }
0x2: {  	[smem:$0x3F9F] =	sst lr;
	_ =	strace $0xD0000000  }
0x3: {  	_ = 	snop  }
0x4: {  	_ = 	snop  }
0x5: {  	_ = 	snop  }
0x6: {  	_ = 	snop  }
0x7: {  	_ = 	snop  }
__scs_overlays_trampoline_lowered:
0x8: {  	[smem:$0x3FAE] =	sst s0  }
0x9: {  	[smem:$0x3FAF] =	sst s1  }
0xa: {  	[smem:$0x3FB0] =	sst s2  }
0xb: {  	[smem:$0x3FB1] =	sst s3  }
0xc: {  	[smem:$0x3FB2] =	sst s4  }
0xd: {  	[smem:$0x3FB3] =	sst s5  }
0xe: {  	[smem:$0x3FB4] =	sst s6  }
0xf: {  	[smem:$0x3FB5] =	sst s7  }
0x10: {  	[smem:$0x3FB6] =	sst s8  }
0x11: {  	[smem:$0x3FB7] =	sst s9;
	s0 =	simm.s32 @!p0 $0x0  }
0x12: {  	s1 =	sld [smem:$0x3F9D];
	s0 =	simm.s32 @p0 $0x1  }
0x13: {  	[smem:$0x3FB8] =	sst s0;
	s0 =	simm.s32 @!p1 $0x0  }
0x14: {  	s2 =	sld [smem:$0x3F9C];
	s0 =	simm.s32 @p1 $0x1  }
0x15: {  	[smem:$0x3FB9] =	sst s0;
	s0 =	simm.s32 @!p2 $0x0  }
0x16: {  	s3 =	sld [smem:$0x3FDB];
	s0 =	simm.s32 @p2 $0x1  }
0x17: {  	s4 =	simm.s32 $0x1BF5;
	[smem:$0x3FBB] =	sst s0  }
0x18: {  	s0 =	sld [smem:$0x3F9E];
	_ =	swait.ge [sflag:s4], $0x0  }
0x19: {  	s7 =	sld [smem:$0x3F9F]  }
0x1a: {  	s8 =	sadd.s32 $0xFFFFE003, lr  }
0x1b: {  	s9 =	sadd.s32 $0xFFFFFEF7, lr;
	s5 =	simm.s32 $0xFFFFFFFF;
	p2 =	slt.u32 s8, $0xFFFFF086  }
0x1c: {  	p1 =	slt.u32 s9, $0xF7A;
	s5 =	simm.s32 @!p2 $0x0  }
0x1d: {  	s5 =	simm.s32 @p1 $0x1;
	p0 =	seq.s32 s7, s2  }
0x1e: {  	s7 =	smul.u32 @!p0 $0xF7A, s2;
	p2 =	seq.s32 @!p0 s5, $0x0  }
0x1f: {  	s9 =	smul.u32 $0xF7A, s1;
	s8 =	simm.s32 @!p0 $0x1BF5;
	p2 =	por !p2, p0  }
0x20: {  	[sflag:s8] =	ssyncset.s32 @!p0 $0xFFFFF086;
	s6 =	sadd.s32 @!p0 s3, s7;
	s7 =	simm.s32 @!p0 $0x108  }
0x21: {  	s3 =	sadd.s32 s3, s9;
	s6 =	sadd.s32 @!p0 $0x88, s6;
	s7 =	simm.s32 @p2 $0x1082  }
0x22: {  	[simem:s7], [sflag:s8] =	dma.local @!p0 [hbm:s6], $0xF7A  }
0x23: {  	s9 =	sor.u32 $0xD0000000, s2;
	s6 =	simm.s32 $0x108;
	_ =	swait.ge @!p0 [sflag:s8], $0x0  }
0x24: {  	s3 =	sadd.s32 $0x88, s3;
	s6 =	simm.s32 @!p1 $0x1082;
	[sflag:s4] =	ssyncset.s32 $0xFFFFF086  }
0x25: {  	[simem:s6], [sflag:s4] =	dma.local [hbm:s3], $0xF7A  }
0x26: {  	[smem:$0x3F9F] =	sst s1;
	(tag) =	ssettag s2;
	_ =	strace s9  }
0x27: {  	s1 =	sld [smem:$0x3FAF]  }
0x28: {  	s2 =	sld [smem:$0x3FB0]  }
0x29: {  	s4 =	sld [smem:$0x3FB2]  }
0x2a: {  	p0 =	seq.s32 s5, $0x0;
	s5 =	sld [smem:$0x3FB3]  }
0x2b: {  	s6 =	sld [smem:$0x3FB4]  }
0x2c: {  	s7 =	sld [smem:$0x3FB5]  }
0x2d: {  	s3 =	simm.s32 $0x108;
	s8 =	sld [smem:$0x3FB6]  }
0x2e: {  	s3 =	simm.s32 @!p0 $0x1082;
	s9 =	sld [smem:$0x3FB7]  }
0x2f: {  	lr =	sadd.s32 s0, s3;
	s0 =	sld [smem:$0x3FAE]  }
0x30: {  	s3 =	sld [smem:$0x3FB1]  }
0x31: {  	[smem:$0x3FBA] =	sst s10  }
0x32: {  	s10 =	sld [smem:$0x3FB8];
	_ =	sdelay $0x3  }
0x33: {  	p0 =	seq.s32 s10, $0x1;
	s10 =	sld [smem:$0x3FBA];
	_ =	sdelay $0x3  }
0x34: {  	[smem:$0x3FBA] =	sst s10  }
0x35: {  	s10 =	sld [smem:$0x3FB9];
	_ =	sdelay $0x3  }
0x36: {  	p1 =	seq.s32 s10, $0x1;
	s10 =	sld [smem:$0x3FBA];
	_ =	sdelay $0x3  }
0x37: {  	[smem:$0x3FBA] =	sst s10  }
0x38: {  	s10 =	sld [smem:$0x3FBB]  }
0x39: {  	_ = 	snop;
	(pc) =	sbr.ind lr, $3  }
0x3a: {  	_ = 	snop  }
0x3b: {  	_ = 	snop  }
0x3c: {  	p2 =	seq.s32 s10, $0x1;
	s10 =	sld [smem:$0x3FBA]  }
0x3d: {  	_ =	shalt  }
0x3e: {  	_ =	shalt  }
0x3f: {  	_ =	shalt  }
0x40: {  	_ =	shalt  }
0x41: {  	_ =	shalt  }
0x42: {  	_ =	shalt  }
0x43: {  	_ =	shalt  }
0x44: {  	_ =	shalt  }
0x45: {  	_ =	shalt  }
0x46: {  	_ =	shalt  }
0x47: {  	_ =	shalt  }
0x48: {  	_ =	shalt  }
0x49: {  	_ =	shalt  }
0x4a: {  	_ =	shalt  }
0x4b: {  	_ =	shalt  }
0x4c: {  	_ =	shalt  }
0x4d: {  	_ =	shalt  }
0x4e: {  	_ =	shalt  }
0x4f: {  	_ =	shalt  }
0x50: {  	_ =	shalt  }
0x51: {  	_ =	shalt  }
0x52: {  	_ =	shalt  }
0x53: {  	_ =	shalt  }
0x54: {  	_ =	shalt  }
0x55: {  	_ =	shalt  }
0x56: {  	_ =	shalt  }
0x57: {  	_ =	shalt  }
0x58: {  	_ =	shalt  }
0x59: {  	_ =	shalt  }
0x5a: {  	_ =	shalt  }
0x5b: {  	_ =	shalt  }
0x5c: {  	_ =	shalt  }
0x5d: {  	_ =	shalt  }
0x5e: {  	_ =	shalt  }
0x5f: {  	_ =	shalt  }
0x60: {  	_ =	shalt  }
0x61: {  	_ =	shalt  }
0x62: {  	_ =	shalt  }
0x63: {  	_ =	shalt  }
0x64: {  	_ =	shalt  }
0x65: {  	_ =	shalt  }
0x66: {  	_ =	shalt  }
0x67: {  	_ =	shalt  }
0x68: {  	_ =	shalt  }
0x69: {  	_ =	shalt  }
0x6a: {  	_ =	shalt  }
0x6b: {  	_ =	shalt  }
0x6c: {  	_ =	shalt  }
0x6d: {  	_ =	shalt  }
0x6e: {  	_ =	shalt  }
0x6f: {  	_ =	shalt  }
0x70: {  	_ =	shalt  }
0x71: {  	_ =	shalt  }
0x72: {  	_ =	shalt  }
0x73: {  	_ =	shalt  }
0x74: {  	_ =	shalt  }
0x75: {  	_ =	shalt  }
0x76: {  	_ =	shalt  }
0x77: {  	_ =	shalt  }
0x78: {  	_ =	shalt  }
0x79: {  	_ =	shalt  }
0x7a: {  	_ =	shalt  }
0x7b: {  	_ =	shalt  }
0x7c: {  	_ =	shalt  }
0x7d: {  	_ =	shalt  }
0x7e: {  	_ =	shalt  }
0x7f: {  	_ =	shalt  }
0x80: {  	_ =	shalt  }
0x81: {  	_ =	shalt  }
0x82: {  	_ =	shalt  }
0x83: {  	_ =	shalt  }
0x84: {  	_ =	shalt  }
0x85: {  	_ =	shalt  }
0x86: {  	_ =	shalt  }
0x87: {  	_ =	shalt  }
.Lfunc_end0:
.L_simem_size_0:
called_computation_lowered:
.L_overlay_start_0:
0x88: {  	s2 =	sld [smem:$0x3FD9]  }
0x89: {  	s3 =	sld [smem:$0x3FFE];
	_ =	sdelay $0x1  }
0x8a: {  	s1 =	srdreg.scid  }
0x8b: {  	s0 =	sand.u32 $0x1, s1  }
0x8c: {  	s17 =	sshll.u32 s0, $0xA;
	s2 =	sadd.s32 s3, s2  }
0x8d: {  	s2 =	sadd.s32 s2, s17  }
0x8e: {  	[smem:$0x3FC6] =	sst s2  }
0x8f: {  	_ = 	snop  }
0x90: {  	s2 =	sld [smem:$0x3FC8]  }
0x91: {  	s18 =	sld [smem:$0x3FD0];
	(tm) =	ssettm $0x1  }
0x92: {  	s4 =	sld [smem:$0x3FFB];
	_ =	sdelay $0x3  }
0x93: {  	_ =	strace s4  }
0x94: {  	s4 =	sld [smem:$0x3FFC];
	_ =	sdelay $0x3  }
0x95: {  	_ =	strace s4  }
0x96: {  	s4 =	sld [smem:$0x3FFD];
	_ =	sdelay $0x3  }
0x97: {  	_ =	strace s4  }
0x98: {  	_ =	strace $0x8FFFFFFF  }
0x99: {  	s19 =	sld [smem:$0x3FDB];
	_ =	sdelay $0x1  }
0x9a: {  	s5 =	simm.s32 $_scs_section_size  }
0x9b: {  	s6 =	simm.s32 $_size__tile_overlayer_lowered;
	s7 =	simm.s32 $_tile_overlayer_lowered  }
0x9c: {  	s22 =	simm.s32 $0x1BFF;
	s21 =	sshll.u32 s7, $0x1;
	s4 =	sadd.s32 s5, s19  }
0x9d: {  	s8 =	simm.s32 $0x0;
	s20 =	sshll.u32 s6, $0x1;
	s6 =	sadd.s32 s21, s4  }
0x9e: {  	[timem:s8], [sflag:s22] =	dma.local [hbm:s6], s20  }
0x9f: {  	_ =	swait.ge [sflag:s22], s20  }
0xa0: {  	s5 =	ssub.s32 $0x0, s20;
	[sflag:s22] =	ssyncset.done $0x0  }
0xa1: {  	[sflag:s22] =	ssyncadd.s32 s5;
	_ =	sdelay $0x1  }
0xa2: {  	s23 =	simm.s32 $0x1B8B  }
0xa3: {  	_ =	swait.ge [sflag:s23], $0x1  }
0xa4: {  	[sflag:s23] =	ssyncset.done $0x0  }
0xa5: {  	s25 =	simm.s32 $0x1B8E;
	s24 =	sld [smem:$0x3FFE];
	[sflag:s23] =	ssyncadd.s32 $0xFFFFFFFF  }
0xa6: {  	s26 =	simm.s32 $execute0_lowered;
	[smem:$0x3FD2] =	sst s25  }
0xa7: {  	s6 =	sshll.u32 s26, $0x1;
	_ =	strace $0x80000046;
	[dreg:$0x1] =	wrdreg $0xFFFFFFFF  }
0xa8: {  	s28 =	simm.s32 $_size_execute0_lowered;
	s4 =	sadd.s32 s4, s6;
	[dreg:$0x0] =	wrdreg $0x0  }
0xa9: {  	s6 =	sshll.u32 s28, $0x1;
	[dreg:$0x2] =	wrdreg s4  }
0xaa: {  	[dreg:$0x3] =	wrdreg s6  }
0xab: {  	[dreg:$0x4] =	wrdreg $0xC0  }
0xac: {  	_ =	task [dreg:s8], $0x5FFFF  }
0xad: {  	[dreg:$0x1] =	wrdreg $0xFFFFFFFF  }
0xae: {  	[dreg:$0x0] =	wrdreg $0x60  }
0xaf: {  	[dreg:$0x2] =	wrdreg s2  }
0xb0: {  	[dreg:$0x3] =	wrdreg s18  }
0xb1: {  	[dreg:$0x4] =	wrdreg s24  }
0xb2: {  	[dreg:$0x5] =	wrdreg $0x9  }
0xb3: {  	_ =	task.clear_ibuf [dreg:s8], $0x6FFFF;
	_ =	strace $0x90000046  }
0xb4: {  	s29 =	simm.s32 $0x9;
	_ =	strace $0x80000048  }
0xb5: {  	_ =	swait.ge [sflag:s29], $0x1  }
0xb6: {  	[sflag:s29] =	ssyncadd.s32 $0xFFFFFFFF  }
0xb7: {  	_ =	strace $0x90000048  }
0xb8: {  	_ =	sfence  }
0xb9: {  	s30 =	sld [smem:$0x0];
	_ =	sdelay $0x2  }
0xba: {  	s31 =	sshll.u32 s1, $0xD;
	s1 =	sshrl.u32 s1, $0x2  }
0xbb: {  	s3 =	sand.u32 $0x4000, s31;
	s1 =	sadd.s32 s1, s30  }
0xbc: {  	s0 =	sor.u32 s3, s0;
	s1 =	sshll.u32 s1, $0x11  }
0xbd: {  	s0 =	sor.u32 s1, s0  }
0xbe: {  	s0 =	sadd.s32 $0x8F2B, s0  }
0xbf: {  	[sflag:s0] =	ssyncadd.remote.s32 $0x1  }
0xc0: {  	_ =	sfence.sel $0xFFFF  }
0xc1: {  	[dreg:$0x0] =	wrdreg $0xFFFFFFFF;
	(pc) =	sbr.abs _section_cstart, $3  }
0xc2: {  	[dreg:$0x1] =	wrdreg $0xFFFFFFFF  }
0xc3: {  	_ =	task.clear_ibuf [dreg:s8], $0x2FFFF;
	_ =	strace $0x9FFFFFFF  }
0xc4: {  	(tm) =	ssettm $0x7FFFFFFF  }
0xc5: {  	_ =	shalt  }
tec
execute0_lowered:
.L_overlay_start_1:
0x0: {  	(tag) =	ssettag $0x1  }
0x1: {  	s1 =	rddreg [dreg:$0x0]  }
0x2: {  	s3 =	rddreg [dreg:$0x1]  }
0x3: {  	s11 =	rddreg [dreg:$0x2]  }
0x4: {  	s0 =	rddreg [dreg:$0x3];
	s5 =	srdreg.scid  }
0x5: {  	s2 =	stileid.u32;
	s4 =	simm.s32 $0x0;
	s13 =	simm.s32 $0x400  }
0x6: {  	s14 =	simm.s32 $0x7A1400;
	s15 =	simm.s32 $0x1;
	s16 =	simm.s32 $0x2000  }
0x7: {  	s17 =	simm.s32 $0x2;
	s18 =	simm.s32 $0x1000;
	s19 =	simm.s32 $0x3000  }
0x8: {  	s21 =	simm.s32 $0x4;
	s22 =	simm.s32 $0x0;
	s6 =	sand.u32 $0x1, s5  }
0x9: {  	s30 =	sshll.u32 s2, $0x1;
	[smem:$0x7FF] =	sst s4;
	s5 =	sadd.s32 $0xA00, s11  }
0xa: {  	s11 =	sadd.s32 $0x3D1200, s11;
	s20 =	sor.u32 s6, s30;
	_ =	strace $0x80000047  }
.Ltmp0:
0xb: {  	s8 =	ssub.s32 $0x2, s6;
	s7 =	ssub.s32 $0x1EA3, s20;
	(pc) =	sbr.rel .LBB2_1-.Ltmp0, $4  }
0xc: {  	v0 =	vlaneseq.u32;
	s31 =	sshrl.u32 s8, $0x1;
	s9 =	sshll.u32 s20, $0x7;
	p0 =	sne.s32 s20, $0x1F  }
0xd: {  	v0 =	vmul.u32 $0x80, v0;
	s6 =	sshrl.u32 s7, $0x5;
	s12 =	ssub.s32 s8, s31;
	s7 =	sadd.s32 s1, s9  }
0xe: {  	s9 =	sshll.u32 s20, $0xA;
	s10 =	sadd.s32 $0x1, s6;
	s12 =	smax.u32 s12, $0x1  }
0xf: {  	v1 =	vor.u32 $0x800, v0;
	s8 =	sshrl.u32 s10, $0x1;
	s10 =	sshll.u32 s20, $0xC;
	s20 =	simm.s32 $0x3  }
.LBB2_11:
0x10: {  	_ =	swait.ge [sflag:s20], $0x1000  }
0x11: {  	[sflag:s20] =	ssyncset.done $0x0  }
0x12: {  	[sflag:s20] =	ssyncadd.s32 $0xFFFFF000  }
0x13: {  	_ =	swait.ge [sflag:s21], $0x1000  }
0x14: {  	s23 =	simm.s32 @!p0 $0x0;
	[sflag:s21] =	ssyncset.done $0x0  }
0x15: {  	s24 =	simm.s32 @!p0 $0x4000;
	s25 =	simm.s32 @!p0 $0x5;
	[sflag:s21] =	ssyncadd.s32 $0xFFFFF000  }
0x16: {  	[tilespmem:s24], [sflag:$0x5] =	stream.linear.gather @!p0 [hbm4b:s3+s23], $0x800, $0x38;
	[tilespmem:$0x4800] =	vst v63  }
0x17: {  	s22 =	sadd.s32 $0x1, s22;
	_ =	swait.ge @!p0 [sflag:s25], $0x800  }
0x18: {  	p1 =	sne.s32 s22, s12;
	[sflag:s25] =	ssyncset.done @!p0 $0x0  }
.Ltmp1:
0x19: {  	[sflag:s25] =	ssyncadd.s32 @!p0 $0xFFFFF800;
	(pc) =	sbr.rel @!p1 .LBB2_12-.Ltmp1, $4  }
0x1a: {  	[hbm4b:s11+s23] =	stream.linear.scatter @!p0 [tilespmem:s24], [sflag:$0x5], $0x800, $0x38;
	[tilespmem:$0x4800] =	vst v63  }
0x1b: {  	_ =	swait.ge @!p0 [sflag:s25], $0x800  }
0x1c: {  	[sflag:s25] =	ssyncset.done @!p0 $0x0  }
0x1d: {  	[sflag:s25] =	ssyncadd.s32 @!p0 $0xFFFFF800  }
.LBB2_1:
.Ltmp2:
0x1e: {  	(pc) =	sbr.rel .LBB2_2-.Ltmp2, $3  }
0x1f: {  	_ =	sdelay $0x1  }
0x20: {  	[tilespmem:s4], [sflag:$0x1] =	stream.strided.gather [hbm4b:s7+s13], $0x1000, s14, s13, $0x38;
	[tilespmem:$0x4800] =	vst v63  }
0x21: {  	s23 =	simm.s32 $0x0  }
.LBB2_10:
0x22: {  	s23 =	sadd.s32 $0x1, s23  }
0x23: {  	p1 =	sne.s32 s23, s8  }
.Ltmp3:
0x24: {  	_ = 	snop;
	(pc) =	sbr.rel @!p1 .LBB2_11-.Ltmp3, $1  }
0x25: {  	_ =	sdelay $0x3  }
.LBB2_2:
0x26: {  	s25 =	sshll.u32 s23, $0x1  }
0x27: {  	p2 =	sge.u32 s25, s6  }
.Ltmp4:
0x28: {  	_ = 	snop;
	(pc) =	sbr.rel @p2 .LBB2_6-.Ltmp4, $3  }
0x29: {  	_ =	sdelay $0x1  }
0x2a: {  	s24 =	sshllo.u32 s23, $0x1  }
0x2b: {  	p1 =	sge.u32 s24, s6  }
0x2c: {  	s26 =	sshll.u32 @!p1 s24, $0xF  }
0x2d: {  	s26 =	sor.u32 @!p1 s9, s26  }
0x2e: {  	s28 =	simm.s32 @!p1 $0x400;
	s26 =	sshrl.u32 @!p1 s26, $0x3  }
0x2f: {  	s29 =	simm.s32 @!p1 $0x7A1400;
	s30 =	simm.s32 @!p1 $0x1000;
	v8 =	vimm.s32 $0x0;
	s26 =	sadd.s32 @!p1 s1, s26  }
0x30: {  	v2 =	vand.u32 $0xFFFFFF80, v8;
	[tilespmem:s30], [sflag:$0x2] =	stream.strided.gather @!p1 [hbm4b:s26+s28], $0x1000, s29, s28, $0x38;
	[tilespmem:$0x4800] =	vst v63  }
0x31: {  	v16 =	vand.u32 $0x78, v8;
	v9 =	vadd.s32 v1, v2;
	_ =	swait.ge [sflag:s15], $0x1000  }
0x32: {  	p2 =	seq.s32 s23, $0x0;
	v3 =	vor.u32 $0x2, v16;
	v4 =	vor.u32 v16, v9;
	[sflag:s15] =	ssyncset.done $0x0  }
0x33: {  	v13 =	vor.u32 $0x4, v16;
	v5 =	vor.u32 v3, v9;
	s26 =	simm.s32 @!p2 $0x3;
	[sflag:s15] =	ssyncadd.s32 $0xFFFFF000  }
0x34: {  	v17 =	vadd.s32 v0, v2;
	v2 =	vor.u32 v13, v9;
	_ =	swait.ge @!p2 [sflag:s26], $0x1000  }
0x35: {  	v10 =	vor.u32 $0x3, v16;
	v7 =	vor.u32 v3, v17;
	[sflag:s26] =	ssyncset.done @!p2 $0x0  }
0x36: {  	v11 =	vor.u32 $0x1, v16;
	v14 =	vor.u32 v10, v9;
	[sflag:s26] =	ssyncadd.s32 @!p2 $0xFFFFF000  }
0x37: {  	v18 =	vor.u32 v11, v17;
	v6 =	vld.idx.msk [tilespmem:v4+s4+$0x0], $0xffff  }
0x38: {  	v15 =	vor.u32 $0x7, v16;
	v19 =	vor.u32 v10, v17;
	v12 =	vld.idx.msk [tilespmem:v5+s4+$0x0], $0xffff  }
0x39: {  	v4 =	vor.u32 $0x5, v16;
	v5 =	vor.u32 v15, v9;
	v3 =	vld.idx.msk [tilespmem:v2+s4+$0x0], $0xffff  }
0x3a: {  	v20 =	vld.idx.msk [tilespmem:v7+s4+$0x0], $0xffff;
	v2 =	vor.u32 v4, v17  }
0x3b: {  	v14 =	vld.idx.msk [tilespmem:v14+s4+$0x0], $0xffff;
	v21 =	vor.u32 v4, v9  }
0x3c: {  	v11 =	vor.u32 v11, v9;
	v10 =	vld.idx.msk [tilespmem:v18+s4+$0x0], $0xffff;
	v18 =	vor.u32 $0x6, v16;
	v7 =	vor.u32 v15, v17  }
0x3d: {  	v15 =	vld.idx.msk [tilespmem:v19+s4+$0x0], $0xffff;
	v4 =	vor.u32 v13, v17;
	v13 =	vor.u32 v18, v17;
	v17 =	vor.u32 v16, v17  }
0x3e: {  	v5 =	vld.idx.msk [tilespmem:v5+s4+$0x0], $0xffff  }
0x3f: {  	s28 =	simm.s32 $0x2080;
	v2 =	vld.idx.msk [tilespmem:v2+s4+$0x0], $0xffff  }
0x40: {  	v8 =	vadd.s32 $0x8, v8;
	s29 =	simm.s32 $0x0;
	s26 =	simm.s32 $0x2080;
	v9 =	vor.u32 v18, v9;
	[tilespmem:s28+$0xFFFFFFC0] =	vst v20;
	v16 =	vld.idx.msk [tilespmem:v21+s4+$0x0], $0xffff  }
.LBB2_4:
0x41: {  	v18 =	vand.u32 $0xFFFFFF80, v8;
	v19 =	vand.u32 $0x78, v8;
	s29 =	sadd.s32 $0x8, s29;
	v20 =	vld.idx.msk [tilespmem:v11+s4+$0x0], $0xffff;
	s28 =	sadd.s32 $0x100, s28  }
0x42: {  	v21 =	vadd.s32 v1, v18;
	v22 =	vor.u32 $0x2, v19;
	v23 =	vor.u32 $0x4, v19;
	p2 =	slt.u32 s29, $0x78;
	v24 =	vld.idx.msk [tilespmem:v17+s4+$0x0], $0xffff;
	[tilespmem:s26+$0xFFFFFFF0] =	vst v14  }
0x43: {  	v25 =	vor.u32 $0x7, v19;
	v14 =	vor.u32 v19, v21;
	v17 =	vor.u32 v22, v21;
	[tilespmem:s26+$0xFFFFFFD0] =	vst v12;
	v26 =	vld.idx.msk [tilespmem:v13+s4+$0x0], $0xffff  }
0x44: {  	v18 =	vadd.s32 v0, v18;
	v11 =	vor.u32 $0x1, v19;
	v27 =	vor.u32 v23, v21;
	[tilespmem:s26+$0xFFFFFF90] =	vst v6;
	v28 =	vld.idx.msk [tilespmem:v7+s4+$0x0], $0xffff  }
0x45: {  	v29 =	vor.u32 v11, v18;
	v11 =	vor.u32 v11, v21;
	v22 =	vor.u32 v22, v18;
	[tilespmem:s26+$0xFFFFFFE0] =	vst v15  }
0x46: {  	v12 =	vor.u32 $0x3, v19;
	v7 =	vor.u32 v25, v18;
	v15 =	vor.u32 $0x6, v19;
	[tilespmem:s26+$0x30] =	vst v16;
	v16 =	vld.idx.msk [tilespmem:v9+s4+$0x0], $0xffff  }
0x47: {  	v30 =	vor.u32 v12, v21;
	v9 =	vor.u32 $0x5, v19;
	[tilespmem:s26+$0xFFFFFFA0] =	vst v10;
	v31 =	vld.idx.msk [tilespmem:v4+s4+$0x0], $0xffff;
	v4 =	vor.u32 v23, v18  }
0x48: {  	v13 =	vor.u32 v15, v18;
	v23 =	vor.u32 v12, v18;
	v6 =	vld.idx.msk [tilespmem:v14+s4+$0x0], $0xffff;
	[tilespmem:s26+$0x10] =	vst v3  }
0x49: {  	v25 =	vor.u32 v25, v21;
	v32 =	vor.u32 v9, v21;
	v12 =	vld.idx.msk [tilespmem:v17+s4+$0x0], $0xffff;
	[tilespmem:s26+$0x70] =	vst v5  }
0x4a: {  	v3 =	vld.idx.msk [tilespmem:v27+s4+$0x0], $0xffff;
	v27 =	vor.u32 v9, v18;
	v9 =	vor.u32 v15, v21;
	[tilespmem:s26+$0x60] =	vst v28  }
0x4b: {  	v17 =	vor.u32 v19, v18;
	v18 =	vld.idx.msk [tilespmem:v22+s4+$0x0], $0xffff;
	[tilespmem:s26+$0xFFFFFF80] =	vst v24  }
0x4c: {  	v14 =	vld.idx.msk [tilespmem:v30+s4+$0x0], $0xffff;
	[tilespmem:s26+$0xFFFFFFB0] =	vst v20  }
.Ltmp5:
0x4d: {  	v10 =	vld.idx.msk [tilespmem:v29+s4+$0x0], $0xffff;
	[tilespmem:s26+$0x0] =	vst v31;
	(pc) =	sbr.rel @p2 .LBB2_4-.Ltmp5, $4  }
0x4e: {  	v5 =	vld.idx.msk [tilespmem:v25+s4+$0x0], $0xffff;
	[tilespmem:s26+$0x40] =	vst v26  }
0x4f: {  	[tilespmem:s26+$0x20] =	vst v2;
	v2 =	vld.idx.msk [tilespmem:v27+s4+$0x0], $0xffff  }
0x50: {  	v15 =	vld.idx.msk [tilespmem:v23+s4+$0x0], $0xffff;
	[tilespmem:s26+$0x50] =	vst v16;
	s26 =	smov.u32 s28  }
0x51: {  	v8 =	vadd.s32 $0x8, v8;
	[tilespmem:s28+$0xFFFFFFC0] =	vst v18;
	v16 =	vld.idx.msk [tilespmem:v32+s4+$0x0], $0xffff  }
0x52: {  	_ =	sdelay $0x2  }
0x53: {  	[tilespmem:s26+$0xFFFFFFF0] =	vst v14  }
0x54: {  	v8 =	vld.idx.msk [tilespmem:v17+s4+$0x0], $0xffff;
	[tilespmem:s26+$0xFFFFFFD0] =	vst v12  }
0x55: {  	[tilespmem:s26+$0xFFFFFF90] =	vst v6;
	v61 =	vld.idx.msk [tilespmem:v7+s4+$0x0], $0xffff  }
0x56: {  	v62 =	vld.idx.msk [tilespmem:v11+s4+$0x0], $0xffff;
	[tilespmem:s26+$0xFFFFFFA0] =	vst v10  }
0x57: {  	v4 =	vld.idx.msk [tilespmem:v4+s4+$0x0], $0xffff;
	[tilespmem:s26+$0x10] =	vst v3  }
0x58: {  	[tilespmem:s26+$0x70] =	vst v5  }
0x59: {  	[tilespmem:s26+$0x20] =	vst v2  }
0x5a: {  	[tilespmem:s26+$0xFFFFFFE0] =	vst v15  }
0x5b: {  	v3 =	vld.idx.msk [tilespmem:v13+s4+$0x0], $0xffff;
	[tilespmem:s26+$0x30] =	vst v16  }
0x5c: {  	v63 =	vld.idx.msk [tilespmem:v9+s4+$0x0], $0xffff;
	[tilespmem:s26+$0x60] =	vst v61  }
0x5d: {  	[tilespmem:s26+$0xFFFFFF80] =	vst v8  }
0x5e: {  	s28 =	sshll.u32 s23, $0x12;
	[tilespmem:s26+$0xFFFFFFB0] =	vst v62  }
0x5f: {  	s28 =	sor.u32 s10, s28;
	[tilespmem:s26+$0x0] =	vst v4  }
0x60: {  	s28 =	sshrl.u32 s28, $0x3;
	[tilespmem:s26+$0x40] =	vst v3  }
0x61: {  	s31 =	sadd.s32 s5, s28;
	[tilespmem:s26+$0x50] =	vst v63  }
0x62: {  	[hbm4b:s31+s4] =	stream.linear.scatter [tilespmem:s16], [sflag:$0x3], $0x1000, $0x38;
	[tilespmem:$0x4800] =	vst v63  }
.LBB2_6:
.Ltmp6:
0x63: {  	(pc) =	sbr.rel @p1 .LBB2_10-.Ltmp6, $1  }
0x64: {  	_ =	sdelay $0x3  }
0x65: {  	s25 =	sadd.s32 $0x2, s25  }
0x66: {  	p1 =	sge.u32 s25, s6  }
0x67: {  	s25 =	sshll.u32 @!p1 s25, $0xF  }
0x68: {  	s25 =	sor.u32 @!p1 s9, s25  }
0x69: {  	s26 =	simm.s32 @!p1 $0x400;
	s25 =	sshrl.u32 @!p1 s25, $0x3  }
0x6a: {  	v8 =	vimm.s32 $0x0;
	s28 =	simm.s32 @!p1 $0x7A1400;
	s29 =	simm.s32 @!p1 $0x0;
	s25 =	sadd.s32 @!p1 s1, s25  }
0x6b: {  	v2 =	vand.u32 $0xFFFFFF80, v8;
	[tilespmem:s29], [sflag:$0x1] =	stream.strided.gather @!p1 [hbm4b:s25+s26], $0x1000, s28, s26, $0x38;
	[tilespmem:$0x4800] =	vst v63  }
0x6c: {  	v16 =	vand.u32 $0x78, v8;
	v9 =	vadd.s32 v1, v2;
	_ =	swait.ge [sflag:s17], $0x1000  }
0x6d: {  	v3 =	vor.u32 $0x2, v16;
	v4 =	vor.u32 v16, v9;
	p1 =	seq.s32 s23, $0x0;
	[sflag:s17] =	ssyncset.done $0x0  }
0x6e: {  	v13 =	vor.u32 $0x4, v16;
	v5 =	vor.u32 v3, v9;
	s25 =	simm.s32 @!p1 $0x4;
	[sflag:s17] =	ssyncadd.s32 $0xFFFFF000  }
0x6f: {  	v17 =	vadd.s32 v0, v2;
	v2 =	vor.u32 v13, v9;
	_ =	swait.ge @!p1 [sflag:s25], $0x1000  }
0x70: {  	v10 =	vor.u32 $0x3, v16;
	v7 =	vor.u32 v3, v17;
	[sflag:s25] =	ssyncset.done @!p1 $0x0  }
0x71: {  	v11 =	vor.u32 $0x1, v16;
	v14 =	vor.u32 v10, v9;
	[sflag:s25] =	ssyncadd.s32 @!p1 $0xFFFFF000  }
0x72: {  	v18 =	vor.u32 v11, v17;
	v6 =	vld.idx.msk [tilespmem:v4+s18+$0x0], $0xffff  }
0x73: {  	v15 =	vor.u32 $0x7, v16;
	v19 =	vor.u32 v10, v17;
	v12 =	vld.idx.msk [tilespmem:v5+s18+$0x0], $0xffff  }
0x74: {  	v4 =	vor.u32 $0x5, v16;
	v5 =	vor.u32 v15, v9;
	v3 =	vld.idx.msk [tilespmem:v2+s18+$0x0], $0xffff  }
0x75: {  	v20 =	vld.idx.msk [tilespmem:v7+s18+$0x0], $0xffff;
	v2 =	vor.u32 v4, v17  }
0x76: {  	v14 =	vld.idx.msk [tilespmem:v14+s18+$0x0], $0xffff;
	v21 =	vor.u32 v4, v9  }
0x77: {  	v11 =	vor.u32 v11, v9;
	v10 =	vld.idx.msk [tilespmem:v18+s18+$0x0], $0xffff;
	v18 =	vor.u32 $0x6, v16;
	v7 =	vor.u32 v15, v17  }
0x78: {  	v15 =	vld.idx.msk [tilespmem:v19+s18+$0x0], $0xffff;
	v4 =	vor.u32 v13, v17;
	v13 =	vor.u32 v18, v17;
	v17 =	vor.u32 v16, v17  }
0x79: {  	v5 =	vld.idx.msk [tilespmem:v5+s18+$0x0], $0xffff  }
0x7a: {  	s26 =	simm.s32 $0x3080;
	v2 =	vld.idx.msk [tilespmem:v2+s18+$0x0], $0xffff  }
0x7b: {  	v8 =	vadd.s32 $0x8, v8;
	s28 =	simm.s32 $0x0;
	s25 =	simm.s32 $0x3080;
	v9 =	vor.u32 v18, v9;
	[tilespmem:s26+$0xFFFFFFC0] =	vst v20;
	v16 =	vld.idx.msk [tilespmem:v21+s18+$0x0], $0xffff  }
.LBB2_8:
0x7c: {  	v18 =	vand.u32 $0xFFFFFF80, v8;
	v19 =	vand.u32 $0x78, v8;
	s28 =	sadd.s32 $0x8, s28;
	v20 =	vld.idx.msk [tilespmem:v11+s18+$0x0], $0xffff;
	s26 =	sadd.s32 $0x100, s26  }
0x7d: {  	v21 =	vadd.s32 v1, v18;
	v22 =	vor.u32 $0x2, v19;
	v23 =	vor.u32 $0x4, v19;
	p1 =	slt.u32 s28, $0x78;
	v24 =	vld.idx.msk [tilespmem:v17+s18+$0x0], $0xffff;
	[tilespmem:s25+$0xFFFFFFF0] =	vst v14  }
0x7e: {  	v25 =	vor.u32 $0x7, v19;
	v14 =	vor.u32 v19, v21;
	v17 =	vor.u32 v22, v21;
	[tilespmem:s25+$0xFFFFFFD0] =	vst v12;
	v26 =	vld.idx.msk [tilespmem:v13+s18+$0x0], $0xffff  }
0x7f: {  	v18 =	vadd.s32 v0, v18;
	v11 =	vor.u32 $0x1, v19;
	v27 =	vor.u32 v23, v21;
	[tilespmem:s25+$0xFFFFFF90] =	vst v6;
	v28 =	vld.idx.msk [tilespmem:v7+s18+$0x0], $0xffff  }
0x80: {  	v29 =	vor.u32 v11, v18;
	v11 =	vor.u32 v11, v21;
	v22 =	vor.u32 v22, v18;
	[tilespmem:s25+$0xFFFFFFE0] =	vst v15  }
0x81: {  	v12 =	vor.u32 $0x3, v19;
	v7 =	vor.u32 v25, v18;
	v15 =	vor.u32 $0x6, v19;
	[tilespmem:s25+$0x30] =	vst v16;
	v16 =	vld.idx.msk [tilespmem:v9+s18+$0x0], $0xffff  }
0x82: {  	v30 =	vor.u32 v12, v21;
	v9 =	vor.u32 $0x5, v19;
	[tilespmem:s25+$0xFFFFFFA0] =	vst v10;
	v31 =	vld.idx.msk [tilespmem:v4+s18+$0x0], $0xffff;
	v4 =	vor.u32 v23, v18  }
0x83: {  	v13 =	vor.u32 v15, v18;
	v23 =	vor.u32 v12, v18;
	v6 =	vld.idx.msk [tilespmem:v14+s18+$0x0], $0xffff;
	[tilespmem:s25+$0x10] =	vst v3  }
0x84: {  	v25 =	vor.u32 v25, v21;
	v32 =	vor.u32 v9, v21;
	v12 =	vld.idx.msk [tilespmem:v17+s18+$0x0], $0xffff;
	[tilespmem:s25+$0x70] =	vst v5  }
0x85: {  	v3 =	vld.idx.msk [tilespmem:v27+s18+$0x0], $0xffff;
	v27 =	vor.u32 v9, v18;
	v9 =	vor.u32 v15, v21;
	[tilespmem:s25+$0x60] =	vst v28  }
0x86: {  	v17 =	vor.u32 v19, v18;
	v18 =	vld.idx.msk [tilespmem:v22+s18+$0x0], $0xffff;
	[tilespmem:s25+$0xFFFFFF80] =	vst v24  }
0x87: {  	v14 =	vld.idx.msk [tilespmem:v30+s18+$0x0], $0xffff;
	[tilespmem:s25+$0xFFFFFFB0] =	vst v20  }
.Ltmp7:
0x88: {  	v10 =	vld.idx.msk [tilespmem:v29+s18+$0x0], $0xffff;
	[tilespmem:s25+$0x0] =	vst v31;
	(pc) =	sbr.rel @p1 .LBB2_8-.Ltmp7, $4  }
0x89: {  	v5 =	vld.idx.msk [tilespmem:v25+s18+$0x0], $0xffff;
	[tilespmem:s25+$0x40] =	vst v26  }
0x8a: {  	[tilespmem:s25+$0x20] =	vst v2;
	v2 =	vld.idx.msk [tilespmem:v27+s18+$0x0], $0xffff  }
0x8b: {  	v15 =	vld.idx.msk [tilespmem:v23+s18+$0x0], $0xffff;
	[tilespmem:s25+$0x50] =	vst v16;
	s25 =	smov.u32 s26  }
0x8c: {  	v8 =	vadd.s32 $0x8, v8;
	[tilespmem:s26+$0xFFFFFFC0] =	vst v18;
	v16 =	vld.idx.msk [tilespmem:v32+s18+$0x0], $0xffff  }
0x8d: {  	_ =	sdelay $0x2  }
0x8e: {  	[tilespmem:s25+$0xFFFFFFF0] =	vst v14  }
0x8f: {  	v8 =	vld.idx.msk [tilespmem:v17+s18+$0x0], $0xffff;
	[tilespmem:s25+$0xFFFFFFD0] =	vst v12  }
0x90: {  	[tilespmem:s25+$0xFFFFFF90] =	vst v6;
	v61 =	vld.idx.msk [tilespmem:v7+s18+$0x0], $0xffff  }
0x91: {  	v62 =	vld.idx.msk [tilespmem:v11+s18+$0x0], $0xffff;
	[tilespmem:s25+$0xFFFFFFA0] =	vst v10  }
0x92: {  	v4 =	vld.idx.msk [tilespmem:v4+s18+$0x0], $0xffff;
	[tilespmem:s25+$0x10] =	vst v3  }
0x93: {  	[tilespmem:s25+$0x70] =	vst v5  }
0x94: {  	[tilespmem:s25+$0x20] =	vst v2  }
0x95: {  	[tilespmem:s25+$0xFFFFFFE0] =	vst v15  }
0x96: {  	v3 =	vld.idx.msk [tilespmem:v13+s18+$0x0], $0xffff;
	[tilespmem:s25+$0x30] =	vst v16  }
0x97: {  	v63 =	vld.idx.msk [tilespmem:v9+s18+$0x0], $0xffff;
	[tilespmem:s25+$0x60] =	vst v61  }
0x98: {  	[tilespmem:s25+$0xFFFFFF80] =	vst v8  }
.Ltmp8:
0x99: {  	s24 =	sshll.u32 s24, $0x11;
	[tilespmem:s25+$0xFFFFFFB0] =	vst v62;
	(pc) =	sbr.rel .LBB2_10-.Ltmp8, $4  }
0x9a: {  	s24 =	sor.u32 s10, s24;
	[tilespmem:s25+$0x0] =	vst v4  }
0x9b: {  	s24 =	sshrl.u32 s24, $0x3;
	[tilespmem:s25+$0x40] =	vst v3  }
0x9c: {  	s24 =	sadd.s32 s5, s24;
	[tilespmem:s25+$0x50] =	vst v63  }
0x9d: {  	[hbm4b:s24+s4] =	stream.linear.scatter [tilespmem:s19], [sflag:$0x4], $0x1000, $0x38;
	[tilespmem:$0x4800] =	vst v63  }
.LBB2_12:
0x9e: {  	_ =	sfence.sel $0x180000  }
0x9f: {  	[bflag:$0x0] =	sbarrier.arrive $0xFFFF  }
0xa0: {  	p0 =	sne.s32 s2, $0x0;
	_ =	strace $0x90000047  }
0xa1: {  	s0 =	sadd.s32 @!p0 $0x100000, s0;
	[bflag:$0x2] =	sbarrier.arrive $0xFFFF  }
0xa2: {  	[sflag:s0] =	ssyncadd.tile.s32 @!p0 $0x1;
	_ =	shalt  }
.Lfunc_end2:
_tile_overlayer_lowered:
.L_overlay_start_2:
0xa3: {  	(tag) =	ssettag $0x2  }
0xa4: {  	s0 =	rddreg [dreg:$0x0];
	s2 =	stileid.u32  }
0xa5: {  	s1 =	rddreg [dreg:$0x1];
	p0 =	sne.s32 s2, $0x0  }
0xa6: {  	s3 =	rddreg [dreg:$0x2];
	[bflag:$0x3] =	sbarrier.arrive $0xFFFF;
	s2 =	simm.s32 @!p0 $0x1C05  }
0xa7: {  	[timem:s3], [sflag:s2] =	dma.local @!p0 [hbm:s0], s1  }
0xa8: {  	s0 =	simm.s32 @!p0 $0x5  }
0xa9: {  	_ =	swait.ge @!p0 [sflag:s0], s1  }
0xaa: {  	s1 =	ssub.s32 @!p0 $0x0, s1;
	[sflag:s0] =	ssyncset.done @!p0 $0x0  }
0xab: {  	[sflag:s0] =	ssyncadd.s32 @!p0 s1  }
0xac: {  	[bflag:$0x3] =	sbarrier.arrive $0xFFFF  }
0xad: {  	_ =	shalt  }

// kernel: kernel.7.cloned.1.call-start
scs
__scs_entry_jumppad:
0x0: {  	(pc) =	sbr.rel $0x88, $3  }
0x1: {  	(tag) =	ssettag $0x0;
	lr =	simm.s32 $0x1  }
0x2: {  	[smem:$0x3F9F] =	sst lr;
	_ =	strace $0xD0000000  }
0x3: {  	_ = 	snop  }
0x4: {  	_ = 	snop  }
0x5: {  	_ = 	snop  }
0x6: {  	_ = 	snop  }
0x7: {  	_ = 	snop  }
__scs_overlays_trampoline_lowered:
0x8: {  	[smem:$0x3FAE] =	sst s0  }
0x9: {  	[smem:$0x3FAF] =	sst s1  }
0xa: {  	[smem:$0x3FB0] =	sst s2  }
0xb: {  	[smem:$0x3FB1] =	sst s3  }
0xc: {  	[smem:$0x3FB2] =	sst s4  }
0xd: {  	[smem:$0x3FB3] =	sst s5  }
0xe: {  	[smem:$0x3FB4] =	sst s6  }
0xf: {  	[smem:$0x3FB5] =	sst s7  }
0x10: {  	[smem:$0x3FB6] =	sst s8  }
0x11: {  	[smem:$0x3FB7] =	sst s9;
	s0 =	simm.s32 @!p0 $0x0  }
0x12: {  	s1 =	sld [smem:$0x3F9D];
	s0 =	simm.s32 @p0 $0x1  }
0x13: {  	[smem:$0x3FB8] =	sst s0;
	s0 =	simm.s32 @!p1 $0x0  }
0x14: {  	s2 =	sld [smem:$0x3F9C];
	s0 =	simm.s32 @p1 $0x1  }
0x15: {  	[smem:$0x3FB9] =	sst s0;
	s0 =	simm.s32 @!p2 $0x0  }
0x16: {  	s3 =	sld [smem:$0x3FDB];
	s0 =	simm.s32 @p2 $0x1  }
0x17: {  	s4 =	simm.s32 $0x1BF5;
	[smem:$0x3FBB] =	sst s0  }
0x18: {  	s0 =	sld [smem:$0x3F9E];
	_ =	swait.ge [sflag:s4], $0x0  }
0x19: {  	s7 =	sld [smem:$0x3F9F]  }
0x1a: {  	s8 =	sadd.s32 $0xFFFFE003, lr  }
0x1b: {  	s9 =	sadd.s32 $0xFFFFFEF7, lr;
	s5 =	simm.s32 $0xFFFFFFFF;
	p2 =	slt.u32 s8, $0xFFFFF086  }
0x1c: {  	p1 =	slt.u32 s9, $0xF7A;
	s5 =	simm.s32 @!p2 $0x0  }
0x1d: {  	s5 =	simm.s32 @p1 $0x1;
	p0 =	seq.s32 s7, s2  }
0x1e: {  	s7 =	smul.u32 @!p0 $0xF7A, s2;
	p2 =	seq.s32 @!p0 s5, $0x0  }
0x1f: {  	s9 =	smul.u32 $0xF7A, s1;
	s8 =	simm.s32 @!p0 $0x1BF5;
	p2 =	por !p2, p0  }
0x20: {  	[sflag:s8] =	ssyncset.s32 @!p0 $0xFFFFF086;
	s6 =	sadd.s32 @!p0 s3, s7;
	s7 =	simm.s32 @!p0 $0x108  }
0x21: {  	s3 =	sadd.s32 s3, s9;
	s6 =	sadd.s32 @!p0 $0x88, s6;
	s7 =	simm.s32 @p2 $0x1082  }
0x22: {  	[simem:s7], [sflag:s8] =	dma.local @!p0 [hbm:s6], $0xF7A  }
0x23: {  	s9 =	sor.u32 $0xD0000000, s2;
	s6 =	simm.s32 $0x108;
	_ =	swait.ge @!p0 [sflag:s8], $0x0  }
0x24: {  	s3 =	sadd.s32 $0x88, s3;
	s6 =	simm.s32 @!p1 $0x1082;
	[sflag:s4] =	ssyncset.s32 $0xFFFFF086  }
0x25: {  	[simem:s6], [sflag:s4] =	dma.local [hbm:s3], $0xF7A  }
0x26: {  	[smem:$0x3F9F] =	sst s1;
	(tag) =	ssettag s2;
	_ =	strace s9  }
0x27: {  	s1 =	sld [smem:$0x3FAF]  }
0x28: {  	s2 =	sld [smem:$0x3FB0]  }
0x29: {  	s4 =	sld [smem:$0x3FB2]  }
0x2a: {  	p0 =	seq.s32 s5, $0x0;
	s5 =	sld [smem:$0x3FB3]  }
0x2b: {  	s6 =	sld [smem:$0x3FB4]  }
0x2c: {  	s7 =	sld [smem:$0x3FB5]  }
0x2d: {  	s3 =	simm.s32 $0x108;
	s8 =	sld [smem:$0x3FB6]  }
0x2e: {  	s3 =	simm.s32 @!p0 $0x1082;
	s9 =	sld [smem:$0x3FB7]  }
0x2f: {  	lr =	sadd.s32 s0, s3;
	s0 =	sld [smem:$0x3FAE]  }
0x30: {  	s3 =	sld [smem:$0x3FB1]  }
0x31: {  	[smem:$0x3FBA] =	sst s10  }
0x32: {  	s10 =	sld [smem:$0x3FB8];
	_ =	sdelay $0x3  }
0x33: {  	p0 =	seq.s32 s10, $0x1;
	s10 =	sld [smem:$0x3FBA];
	_ =	sdelay $0x3  }
0x34: {  	[smem:$0x3FBA] =	sst s10  }
0x35: {  	s10 =	sld [smem:$0x3FB9];
	_ =	sdelay $0x3  }
0x36: {  	p1 =	seq.s32 s10, $0x1;
	s10 =	sld [smem:$0x3FBA];
	_ =	sdelay $0x3  }
0x37: {  	[smem:$0x3FBA] =	sst s10  }
0x38: {  	s10 =	sld [smem:$0x3FBB]  }
0x39: {  	_ = 	snop;
	(pc) =	sbr.ind lr, $3  }
0x3a: {  	_ = 	snop  }
0x3b: {  	_ = 	snop  }
0x3c: {  	p2 =	seq.s32 s10, $0x1;
	s10 =	sld [smem:$0x3FBA]  }
0x3d: {  	_ =	shalt  }
0x3e: {  	_ =	shalt  }
0x3f: {  	_ =	shalt  }
0x40: {  	_ =	shalt  }
0x41: {  	_ =	shalt  }
0x42: {  	_ =	shalt  }
0x43: {  	_ =	shalt  }
0x44: {  	_ =	shalt  }
0x45: {  	_ =	shalt  }
0x46: {  	_ =	shalt  }
0x47: {  	_ =	shalt  }
0x48: {  	_ =	shalt  }
0x49: {  	_ =	shalt  }
0x4a: {  	_ =	shalt  }
0x4b: {  	_ =	shalt  }
0x4c: {  	_ =	shalt  }
0x4d: {  	_ =	shalt  }
0x4e: {  	_ =	shalt  }
0x4f: {  	_ =	shalt  }
0x50: {  	_ =	shalt  }
0x51: {  	_ =	shalt  }
0x52: {  	_ =	shalt  }
0x53: {  	_ =	shalt  }
0x54: {  	_ =	shalt  }
0x55: {  	_ =	shalt  }
0x56: {  	_ =	shalt  }
0x57: {  	_ =	shalt  }
0x58: {  	_ =	shalt  }
0x59: {  	_ =	shalt  }
0x5a: {  	_ =	shalt  }
0x5b: {  	_ =	shalt  }
0x5c: {  	_ =	shalt  }
0x5d: {  	_ =	shalt  }
0x5e: {  	_ =	shalt  }
0x5f: {  	_ =	shalt  }
0x60: {  	_ =	shalt  }
0x61: {  	_ =	shalt  }
0x62: {  	_ =	shalt  }
0x63: {  	_ =	shalt  }
0x64: {  	_ =	shalt  }
0x65: {  	_ =	shalt  }
0x66: {  	_ =	shalt  }
0x67: {  	_ =	shalt  }
0x68: {  	_ =	shalt  }
0x69: {  	_ =	shalt  }
0x6a: {  	_ =	shalt  }
0x6b: {  	_ =	shalt  }
0x6c: {  	_ =	shalt  }
0x6d: {  	_ =	shalt  }
0x6e: {  	_ =	shalt  }
0x6f: {  	_ =	shalt  }
0x70: {  	_ =	shalt  }
0x71: {  	_ =	shalt  }
0x72: {  	_ =	shalt  }
0x73: {  	_ =	shalt  }
0x74: {  	_ =	shalt  }
0x75: {  	_ =	shalt  }
0x76: {  	_ =	shalt  }
0x77: {  	_ =	shalt  }
0x78: {  	_ =	shalt  }
0x79: {  	_ =	shalt  }
0x7a: {  	_ =	shalt  }
0x7b: {  	_ =	shalt  }
0x7c: {  	_ =	shalt  }
0x7d: {  	_ =	shalt  }
0x7e: {  	_ =	shalt  }
0x7f: {  	_ =	shalt  }
0x80: {  	_ =	shalt  }
0x81: {  	_ =	shalt  }
0x82: {  	_ =	shalt  }
0x83: {  	_ =	shalt  }
0x84: {  	_ =	shalt  }
0x85: {  	_ =	shalt  }
0x86: {  	_ =	shalt  }
0x87: {  	_ =	shalt  }
.Lfunc_end0:
.L_simem_size_0:
called_computation.1_lowered:
.L_overlay_start_0:
0x88: {  	s2 =	sld [smem:$0x3FD9]  }
0x89: {  	s3 =	sld [smem:$0x3FFE];
	_ =	sdelay $0x1  }
0x8a: {  	s1 =	srdreg.scid  }
0x8b: {  	s0 =	sand.u32 $0x1, s1  }
0x8c: {  	s17 =	sshll.u32 s0, $0xA;
	s2 =	sadd.s32 s3, s2  }
0x8d: {  	s2 =	sadd.s32 s2, s17  }
0x8e: {  	[smem:$0x3FC6] =	sst s2  }
0x8f: {  	_ = 	snop  }
0x90: {  	s2 =	sld [smem:$0x3FD0];
	(tm) =	ssettm $0x1  }
0x91: {  	s18 =	sld [smem:$0x3FFB];
	_ =	sdelay $0x3  }
0x92: {  	_ =	strace s18  }
0x93: {  	s3 =	sld [smem:$0x3FFC];
	_ =	sdelay $0x3  }
0x94: {  	_ =	strace s3  }
0x95: {  	s3 =	sld [smem:$0x3FFD];
	_ =	sdelay $0x3  }
0x96: {  	_ =	strace s3  }
0x97: {  	_ =	strace $0x8FFFFFFF  }
0x98: {  	s19 =	sld [smem:$0x3FDB];
	_ =	sdelay $0x1  }
0x99: {  	s4 =	simm.s32 $_scs_section_size  }
0x9a: {  	s5 =	simm.s32 $_size__tile_overlayer_lowered;
	s6 =	simm.s32 $_tile_overlayer_lowered  }
0x9b: {  	s22 =	simm.s32 $0x1BFF;
	s21 =	sshll.u32 s6, $0x1;
	s3 =	sadd.s32 s4, s19  }
0x9c: {  	s7 =	simm.s32 $0x0;
	s20 =	sshll.u32 s5, $0x1;
	s5 =	sadd.s32 s21, s3  }
0x9d: {  	[timem:s7], [sflag:s22] =	dma.local [hbm:s5], s20  }
0x9e: {  	_ =	swait.ge [sflag:s22], s20  }
0x9f: {  	s4 =	ssub.s32 $0x0, s20;
	[sflag:s22] =	ssyncset.done $0x0  }
0xa0: {  	[sflag:s22] =	ssyncadd.s32 s4;
	_ =	sdelay $0x1  }
0xa1: {  	s23 =	simm.s32 $0x1B8B  }
0xa2: {  	_ =	swait.ge [sflag:s23], $0x1  }
0xa3: {  	[sflag:s23] =	ssyncset.done $0x0  }
0xa4: {  	s25 =	simm.s32 $0x1B8E;
	s24 =	sld [smem:$0x3FFE];
	[sflag:s23] =	ssyncadd.s32 $0xFFFFFFFF  }
0xa5: {  	s26 =	simm.s32 $execute0_lowered;
	[smem:$0x3FD2] =	sst s25  }
0xa6: {  	s5 =	sshll.u32 s26, $0x1;
	_ =	strace $0x80000049;
	[dreg:$0x1] =	wrdreg $0xFFFFFFFF  }
0xa7: {  	s28 =	simm.s32 $_size_execute0_lowered;
	s3 =	sadd.s32 s3, s5;
	[dreg:$0x0] =	wrdreg $0x0  }
0xa8: {  	s5 =	sshll.u32 s28, $0x1;
	[dreg:$0x2] =	wrdreg s3  }
0xa9: {  	[dreg:$0x3] =	wrdreg s5  }
0xaa: {  	[dreg:$0x4] =	wrdreg $0xC0  }
0xab: {  	_ =	task [dreg:s7], $0x5FFFF  }
0xac: {  	[dreg:$0x1] =	wrdreg $0xFFFFFFFF  }
0xad: {  	[dreg:$0x0] =	wrdreg $0x60  }
0xae: {  	[dreg:$0x2] =	wrdreg s24  }
0xaf: {  	[dreg:$0x3] =	wrdreg s2  }
0xb0: {  	[dreg:$0x4] =	wrdreg $0x9  }
0xb1: {  	_ =	task.clear_ibuf [dreg:s7], $0x5FFFF;
	_ =	strace $0x90000049  }
0xb2: {  	s29 =	simm.s32 $0x9;
	_ =	strace $0x8000004B  }
0xb3: {  	_ =	swait.ge [sflag:s29], $0x1  }
0xb4: {  	[sflag:s29] =	ssyncadd.s32 $0xFFFFFFFF  }
0xb5: {  	_ =	strace $0x9000004B  }
0xb6: {  	_ =	sfence  }
0xb7: {  	s30 =	sld [smem:$0x0];
	_ =	sdelay $0x2  }
0xb8: {  	s31 =	sshll.u32 s1, $0xD;
	s1 =	sshrl.u32 s1, $0x2  }
0xb9: {  	s3 =	sand.u32 $0x4000, s31;
	s1 =	sadd.s32 s1, s30  }
0xba: {  	s0 =	sor.u32 s3, s0;
	s1 =	sshll.u32 s1, $0x11  }
0xbb: {  	s0 =	sor.u32 s1, s0  }
0xbc: {  	s0 =	sadd.s32 $0x8F2B, s0  }
0xbd: {  	[sflag:s0] =	ssyncadd.remote.s32 $0x1  }
0xbe: {  	_ =	sfence.sel $0xFFFF  }
0xbf: {  	[dreg:$0x0] =	wrdreg $0xFFFFFFFF;
	(pc) =	sbr.abs _section_cstart, $3  }
0xc0: {  	[dreg:$0x1] =	wrdreg $0xFFFFFFFF  }
0xc1: {  	_ =	task.clear_ibuf [dreg:s7], $0x2FFFF;
	_ =	strace $0x9FFFFFFF  }
0xc2: {  	(tm) =	ssettm $0x7FFFFFFF  }
0xc3: {  	_ =	shalt  }
tec
execute0_lowered:
.L_overlay_start_1:
0x0: {  	(tag) =	ssettag $0x1  }
0x1: {  	s0 =	rddreg [dreg:$0x0]  }
0x2: {  	s1 =	rddreg [dreg:$0x1]  }
0x3: {  	s2 =	simm.s32 $0x0;
	s28 =	srdreg.scid;
	s3 =	stileid.u32  }
0x4: {  	s8 =	simm.s32 $0x2;
	s9 =	simm.s32 $0x80;
	s30 =	simm.s32 $0xAA00  }
0x5: {  	s31 =	simm.s32 $0x580;
	s10 =	simm.s32 $0x700;
	s11 =	simm.s32 $0xEA00  }
0x6: {  	s12 =	simm.s32 $0x780;
	s13 =	simm.s32 $0xFA00;
	s14 =	simm.s32 $0x800  }
0x7: {  	s15 =	simm.s32 $0x10A00;
	s16 =	simm.s32 $0x880;
	s17 =	simm.s32 $0x11A00  }
0x8: {  	s18 =	simm.s32 $0x900;
	s19 =	simm.s32 $0x12A00;
	s20 =	simm.s32 $0x980  }
0x9: {  	s21 =	simm.s32 $0x13A00;
	s22 =	simm.s32 $0x1;
	s24 =	simm.s32 $0x0  }
0xa: {  	[smem:$0x7FF] =	sst s2;
	s2 =	sand.u32 $0x1, s28;
	s4 =	sshll.u32 s3, $0xA  }
0xb: {  	s3 =	sadd.s32 $0x3D1400, s0;
	s6 =	ssub.s32 $0x2, s2;
	s2 =	sshll.u32 s2, $0x9  }
0xc: {  	s5 =	sadd.s32 $0xA00, s0;
	s7 =	sshrl.u32 s6, $0x1;
	s4 =	sor.u32 s2, s4  }
0xd: {  	_ =	strace $0x8000004A;
	s29 =	ssub.s32 s6, s7;
	s2 =	sshll.u32 s4, $0x2  }
0xe: {  	s6 =	simm.s32 $0x680;
	s7 =	simm.s32 $0xDA00;
	s1 =	sadd.s32 s1, s2  }
0xf: {  	s0 =	smax.u32 s29, $0x1;
	s2 =	simm.s32 $0xCA00;
	[dreg:$0x3] =	wrdreg s1  }
0x10: {  	[dreg:$0x4] =	wrdreg s0;
	s0 =	simm.s32 $0xBA00;
	s1 =	simm.s32 $0x600  }
.LBB2_1:
0x11: {  	[dreg:$0x5] =	wrdreg s24;
	s23 =	simm.s32 $0x14A00;
	s24 =	simm.s32 $0x0  }
.LBB2_2:
0x12: {  	s25 =	sshll.u32 s24, $0x7  }
0x13: {  	s25 =	sadd.s32 s4, s25  }
0x14: {  	s25 =	smul.u32 $0x14, s25;
	_ =	sdelay $0x1  }
0x15: {  	s25 =	sshrl.u32 s25, $0x3  }
0x16: {  	s26 =	sadd.s32 s3, s25;
	s25 =	simm.s32 $0x0  }
0x17: {  	[tilespmem:s25], [sflag:$0x2] =	stream.linear.gather [hbm4b:s26+s25], $0xA00, $0x38;
	[tilespmem:$0x18A00] =	vst v63  }
0x18: {  	_ =	swait.ge [sflag:s8], $0xA00  }
0x19: {  	[sflag:s8] =	ssyncset.done $0x0  }
0x1a: {  	s29 =	simm.s32 $0xA00;
	[sflag:s8] =	ssyncadd.s32 $0xFFFFF600  }
0x1b: {  	[tilespmem:s29], [sflag:$0x1] =	stream.indirect.gather [hbm4b:s5+s9], $0x20, s25, s9, $0xb8;
	[tilespmem:$0x18A00] =	vst v63  }
0x1c: {  	s29 =	simm.s32 $0x1A00  }
0x1d: {  	[tilespmem:s29], [sflag:$0x1] =	stream.indirect.gather [hbm4b:s5+s9], $0x20, s9, s9, $0xb8;
	[tilespmem:$0x18A00] =	vst v63  }
0x1e: {  	s28 =	simm.s32 $0x2A00;
	s29 =	simm.s32 $0x100  }
0x1f: {  	[tilespmem:s28], [sflag:$0x1] =	stream.indirect.gather [hbm4b:s5+s9], $0x20, s29, s9, $0xb8;
	[tilespmem:$0x18A00] =	vst v63  }
0x20: {  	s29 =	simm.s32 $0x180;
	s28 =	simm.s32 $0x3A00  }
0x21: {  	[tilespmem:s28], [sflag:$0x1] =	stream.indirect.gather [hbm4b:s5+s9], $0x20, s29, s9, $0xb8;
	[tilespmem:$0x18A00] =	vst v63  }
0x22: {  	s29 =	simm.s32 $0x200;
	s28 =	simm.s32 $0x4A00  }
0x23: {  	[tilespmem:s28], [sflag:$0x1] =	stream.indirect.gather [hbm4b:s5+s9], $0x20, s29, s9, $0xb8;
	[tilespmem:$0x18A00] =	vst v63  }
0x24: {  	s29 =	simm.s32 $0x280;
	s28 =	simm.s32 $0x5A00  }
0x25: {  	[tilespmem:s28], [sflag:$0x1] =	stream.indirect.gather [hbm4b:s5+s9], $0x20, s29, s9, $0xb8;
	[tilespmem:$0x18A00] =	vst v63  }
0x26: {  	s29 =	simm.s32 $0x300;
	s28 =	simm.s32 $0x6A00  }
0x27: {  	[tilespmem:s28], [sflag:$0x1] =	stream.indirect.gather [hbm4b:s5+s9], $0x20, s29, s9, $0xb8;
	[tilespmem:$0x18A00] =	vst v63  }
0x28: {  	s29 =	simm.s32 $0x380;
	s28 =	simm.s32 $0x7A00  }
0x29: {  	[tilespmem:s28], [sflag:$0x1] =	stream.indirect.gather [hbm4b:s5+s9], $0x20, s29, s9, $0xb8;
	[tilespmem:$0x18A00] =	vst v63  }
0x2a: {  	s29 =	simm.s32 $0x400;
	s28 =	simm.s32 $0x8A00  }
0x2b: {  	[tilespmem:s28], [sflag:$0x1] =	stream.indirect.gather [hbm4b:s5+s9], $0x20, s29, s9, $0xb8;
	[tilespmem:$0x18A00] =	vst v63  }
0x2c: {  	s29 =	simm.s32 $0x480;
	s28 =	simm.s32 $0x9A00  }
0x2d: {  	[tilespmem:s28], [sflag:$0x1] =	stream.indirect.gather [hbm4b:s5+s9], $0x20, s29, s9, $0xb8;
	[tilespmem:$0x18A00] =	vst v63  }
0x2e: {  	s29 =	simm.s32 $0x500  }
0x2f: {  	[tilespmem:s30], [sflag:$0x1] =	stream.indirect.gather [hbm4b:s5+s9], $0x20, s29, s9, $0xb8;
	[tilespmem:$0x18A00] =	vst v63  }
0x30: {  	_ = 	snop  }
0x31: {  	[tilespmem:s0], [sflag:$0x1] =	stream.indirect.gather [hbm4b:s5+s9], $0x20, s31, s9, $0xb8;
	[tilespmem:$0x18A00] =	vst v63  }
0x32: {  	_ = 	snop  }
0x33: {  	[tilespmem:s2], [sflag:$0x1] =	stream.indirect.gather [hbm4b:s5+s9], $0x20, s1, s9, $0xb8;
	[tilespmem:$0x18A00] =	vst v63  }
0x34: {  	_ = 	snop  }
0x35: {  	[tilespmem:s7], [sflag:$0x1] =	stream.indirect.gather [hbm4b:s5+s9], $0x20, s6, s9, $0xb8;
	[tilespmem:$0x18A00] =	vst v63  }
0x36: {  	_ = 	snop  }
0x37: {  	[tilespmem:s11], [sflag:$0x1] =	stream.indirect.gather [hbm4b:s5+s9], $0x20, s10, s9, $0xb8;
	[tilespmem:$0x18A00] =	vst v63  }
0x38: {  	_ = 	snop  }
0x39: {  	[tilespmem:s13], [sflag:$0x1] =	stream.indirect.gather [hbm4b:s5+s9], $0x20, s12, s9, $0xb8;
	[tilespmem:$0x18A00] =	vst v63  }
0x3a: {  	_ = 	snop  }
0x3b: {  	[tilespmem:s15], [sflag:$0x1] =	stream.indirect.gather [hbm4b:s5+s9], $0x20, s14, s9, $0xb8;
	[tilespmem:$0x18A00] =	vst v63  }
0x3c: {  	_ = 	snop  }
0x3d: {  	[tilespmem:s17], [sflag:$0x1] =	stream.indirect.gather [hbm4b:s5+s9], $0x20, s16, s9, $0xb8;
	[tilespmem:$0x18A00] =	vst v63  }
0x3e: {  	_ = 	snop  }
0x3f: {  	[tilespmem:s19], [sflag:$0x1] =	stream.indirect.gather [hbm4b:s5+s9], $0x20, s18, s9, $0xb8;
	[tilespmem:$0x18A00] =	vst v63  }
0x40: {  	_ = 	snop  }
0x41: {  	[tilespmem:s21], [sflag:$0x1] =	stream.indirect.gather [hbm4b:s5+s9], $0x20, s20, s9, $0xb8;
	[tilespmem:$0x18A00] =	vst v63  }
0x42: {  	_ =	swait.ge [sflag:s22], $0x1000  }
0x43: {  	[sflag:s22] =	ssyncset.done $0x0  }
0x44: {  	[sflag:s22] =	ssyncadd.s32 $0xFFFFF000  }
0x45: {  	_ =	swait.ge [sflag:s22], $0x1000  }
0x46: {  	[sflag:s22] =	ssyncset.done $0x0  }
0x47: {  	[sflag:s22] =	ssyncadd.s32 $0xFFFFF000  }
0x48: {  	_ =	swait.ge [sflag:s22], $0x1000  }
0x49: {  	[sflag:s22] =	ssyncset.done $0x0  }
0x4a: {  	[sflag:s22] =	ssyncadd.s32 $0xFFFFF000  }
0x4b: {  	_ =	swait.ge [sflag:s22], $0x1000  }
0x4c: {  	[sflag:s22] =	ssyncset.done $0x0  }
0x4d: {  	[sflag:s22] =	ssyncadd.s32 $0xFFFFF000  }
0x4e: {  	_ =	swait.ge [sflag:s22], $0x1000  }
0x4f: {  	[sflag:s22] =	ssyncset.done $0x0  }
0x50: {  	[sflag:s22] =	ssyncadd.s32 $0xFFFFF000  }
0x51: {  	_ =	swait.ge [sflag:s22], $0x1000  }
0x52: {  	[sflag:s22] =	ssyncset.done $0x0  }
0x53: {  	[sflag:s22] =	ssyncadd.s32 $0xFFFFF000  }
0x54: {  	_ =	swait.ge [sflag:s22], $0x1000  }
0x55: {  	[sflag:s22] =	ssyncset.done $0x0  }
0x56: {  	[sflag:s22] =	ssyncadd.s32 $0xFFFFF000  }
0x57: {  	_ =	swait.ge [sflag:s22], $0x1000  }
0x58: {  	[sflag:s22] =	ssyncset.done $0x0  }
0x59: {  	[sflag:s22] =	ssyncadd.s32 $0xFFFFF000  }
0x5a: {  	_ =	swait.ge [sflag:s22], $0x1000  }
0x5b: {  	[sflag:s22] =	ssyncset.done $0x0  }
0x5c: {  	[sflag:s22] =	ssyncadd.s32 $0xFFFFF000  }
0x5d: {  	_ =	swait.ge [sflag:s22], $0x1000  }
0x5e: {  	[sflag:s22] =	ssyncset.done $0x0  }
0x5f: {  	[sflag:s22] =	ssyncadd.s32 $0xFFFFF000  }
0x60: {  	_ =	swait.ge [sflag:s22], $0x1000  }
0x61: {  	[sflag:s22] =	ssyncset.done $0x0  }
0x62: {  	[sflag:s22] =	ssyncadd.s32 $0xFFFFF000  }
0x63: {  	_ =	swait.ge [sflag:s22], $0x1000  }
0x64: {  	[sflag:s22] =	ssyncset.done $0x0  }
0x65: {  	[sflag:s22] =	ssyncadd.s32 $0xFFFFF000  }
0x66: {  	_ =	swait.ge [sflag:s22], $0x1000  }
0x67: {  	[sflag:s22] =	ssyncset.done $0x0  }
0x68: {  	[sflag:s22] =	ssyncadd.s32 $0xFFFFF000  }
0x69: {  	_ =	swait.ge [sflag:s22], $0x1000  }
0x6a: {  	[sflag:s22] =	ssyncset.done $0x0  }
0x6b: {  	[sflag:s22] =	ssyncadd.s32 $0xFFFFF000  }
0x6c: {  	_ =	swait.ge [sflag:s22], $0x1000  }
0x6d: {  	[sflag:s22] =	ssyncset.done $0x0  }
0x6e: {  	[sflag:s22] =	ssyncadd.s32 $0xFFFFF000  }
0x6f: {  	_ =	swait.ge [sflag:s22], $0x1000  }
0x70: {  	[sflag:s22] =	ssyncset.done $0x0  }
0x71: {  	[sflag:s22] =	ssyncadd.s32 $0xFFFFF000  }
0x72: {  	_ =	swait.ge [sflag:s22], $0x1000  }
0x73: {  	[sflag:s22] =	ssyncset.done $0x0  }
0x74: {  	[sflag:s22] =	ssyncadd.s32 $0xFFFFF000  }
0x75: {  	_ =	swait.ge [sflag:s22], $0x1000  }
0x76: {  	[sflag:s22] =	ssyncset.done $0x0  }
0x77: {  	[sflag:s22] =	ssyncadd.s32 $0xFFFFF000  }
0x78: {  	_ =	swait.ge [sflag:s22], $0x1000  }
0x79: {  	[sflag:s22] =	ssyncset.done $0x0  }
0x7a: {  	[sflag:s22] =	ssyncadd.s32 $0xFFFFF000  }
0x7b: {  	_ =	swait.ge [sflag:s22], $0x1000  }
0x7c: {  	[sflag:s22] =	ssyncset.done $0x0  }
0x7d: {  	s26 =	simm.s32 $0xB40;
	[sflag:s22] =	ssyncadd.s32 $0xFFFFF000  }
0x7e: {  	v1 =	vld [tilespmem:s26+$0xFFFFFEF0]  }
0x7f: {  	v2 =	vld [tilespmem:s26+$0xFFFFFEE0]  }
0x80: {  	v4 =	vld [tilespmem:s26+$0xFFFFFEC0]  }
0x81: {  	v0 =	vmov s23;
	s28 =	simm.s32 $0x80;
	v3 =	vld [tilespmem:s26+$0xFFFFFED0]  }
.LBB2_3:
0x82: {  	p0 =	sne.s32 s28, $0x3F80;
	v5 =	vld [tilespmem:s26+$0xFFFFFF00]  }
0x83: {  	v6 =	vld [tilespmem:s26+$0xFFFFFF10]  }
0x84: {  	v7 =	vld [tilespmem:s26+$0xFFFFFF20]  }
0x85: {  	v2 =	vadd.f32 v2, v4;
	v4 =	vld [tilespmem:s26+$0xFFFFFF30]  }
0x86: {  	v1 =	vadd.f32 v1, v3;
	v3 =	vld [tilespmem:s26+$0xFFFFFF40]  }
0x87: {  	v2 =	vadd.f32 v5, v2;
	v5 =	vld [tilespmem:s26+$0xFFFFFF50]  }
0x88: {  	v1 =	vadd.f32 v6, v1;
	v6 =	vld [tilespmem:s26+$0xFFFFFF60]  }
0x89: {  	v2 =	vadd.f32 v7, v2;
	v7 =	vld [tilespmem:s26+$0xFFFFFF70]  }
0x8a: {  	v1 =	vadd.f32 v4, v1;
	v4 =	vld [tilespmem:s26+$0xFFFFFF80]  }
0x8b: {  	v2 =	vadd.f32 v3, v2;
	v3 =	vld [tilespmem:s26+$0xFFFFFF90]  }
0x8c: {  	v1 =	vadd.f32 v5, v1;
	v5 =	vld [tilespmem:s26+$0xFFFFFFA0]  }
0x8d: {  	v2 =	vadd.f32 v6, v2;
	v6 =	vld [tilespmem:s26+$0xFFFFFFB0]  }
0x8e: {  	v1 =	vadd.f32 v7, v1;
	v7 =	vld [tilespmem:s26+$0xFFFFFFC0]  }
0x8f: {  	v2 =	vadd.f32 v4, v2;
	v4 =	vld [tilespmem:s26+$0xFFFFFFD0]  }
0x90: {  	v1 =	vadd.f32 v3, v1;
	v3 =	vld [tilespmem:s26+$0xFFFFFFE0]  }
0x91: {  	v2 =	vadd.f32 v5, v2;
	v5 =	vld [tilespmem:s26+$0xFFFFFFF0]  }
0x92: {  	v1 =	vadd.f32 v6, v1;
	v6 =	vld [tilespmem:s26+$0x0]  }
0x93: {  	v2 =	vadd.f32 v7, v2;
	v7 =	vld [tilespmem:s26+$0x10]  }
0x94: {  	v1 =	vadd.f32 v4, v1;
	v4 =	vld [tilespmem:s26+$0x20]  }
0x95: {  	v2 =	vadd.f32 v3, v2;
	v3 =	vld [tilespmem:s26+$0x30]  }
0x96: {  	v1 =	vadd.f32 v5, v1;
	v5 =	vld [tilespmem:s26+$0x40]  }
0x97: {  	v2 =	vadd.f32 v6, v2;
	v6 =	vld [tilespmem:s26+$0x50]  }
0x98: {  	v1 =	vadd.f32 v7, v1;
	v7 =	vld [tilespmem:s26+$0x60]  }
0x99: {  	v2 =	vadd.f32 v4, v2;
	v4 =	vld [tilespmem:s26+$0x70]  }
0x9a: {  	v1 =	vadd.f32 v3, v1;
	v3 =	vld [tilespmem:s26+$0x80]  }
0x9b: {  	v2 =	vadd.f32 v5, v2;
	v5 =	vld [tilespmem:s26+$0x90]  }
0x9c: {  	v1 =	vadd.f32 v6, v1;
	v6 =	vld [tilespmem:s26+$0xA0]  }
0x9d: {  	v2 =	vadd.f32 v7, v2;
	v7 =	vld [tilespmem:s26+$0xB0]  }
0x9e: {  	v1 =	vadd.f32 v4, v1;
	v4 =	vld [tilespmem:s26+$0xC0]  }
0x9f: {  	v2 =	vadd.f32 v3, v2;
	v3 =	vld [tilespmem:s26+$0xD0]  }
0xa0: {  	v1 =	vadd.f32 v5, v1;
	v5 =	vld [tilespmem:s26+$0xE0]  }
0xa1: {  	v2 =	vadd.f32 v6, v2;
	v6 =	vld [tilespmem:s26+$0xF0]  }
0xa2: {  	v1 =	vadd.f32 v7, v1;
	v7 =	vld [tilespmem:s26+$0x100]  }
0xa3: {  	v2 =	vadd.f32 v4, v2;
	v4 =	vld [tilespmem:s26+$0x110]  }
0xa4: {  	v1 =	vadd.f32 v3, v1;
	v3 =	vld [tilespmem:s26+$0x120]  }
0xa5: {  	v2 =	vadd.f32 v5, v2;
	v5 =	vld [tilespmem:s26+$0x130]  }
0xa6: {  	v1 =	vadd.f32 v6, v1  }
0xa7: {  	v2 =	vadd.f32 v7, v2  }
0xa8: {  	v1 =	vadd.f32 v4, v1  }
0xa9: {  	v2 =	vadd.f32 v3, v2  }
0xaa: {  	s29 =	sshra.s32 s25, $0x2;
	s25 =	smov.u32 s28;
	v1 =	vadd.f32 v5, v1  }
0xab: {  	[tilespmem:v0+s29+$0x0 ss:$0x1] =	vst.idx.msk $0xffff, v2  }
.Ltmp0:
0xac: {  	s26 =	sadd.s32 $0x280, s26;
	[tilespmem:v0+s29+$0x10 ss:$0x1] =	vst.idx.msk $0xffff, v1;
	(pc) =	sbr.rel @p0 .LBB2_3-.Ltmp0, $4  }
0xad: {  	v1 =	vld [tilespmem:s26+$0xFFFFFEF0]  }
0xae: {  	v2 =	vld [tilespmem:s26+$0xFFFFFEE0]  }
0xaf: {  	v4 =	vld [tilespmem:s26+$0xFFFFFEC0]  }
0xb0: {  	s28 =	sadd.s32 $0x80, s28;
	v3 =	vld [tilespmem:s26+$0xFFFFFED0]  }
0xb1: {  	v5 =	vld [tilespmem:s26+$0xFFFFFF00]  }
0xb2: {  	v6 =	vld [tilespmem:s26+$0xFFFFFF10]  }
0xb3: {  	v7 =	vld [tilespmem:s26+$0xFFFFFF20]  }
0xb4: {  	v31 =	vld [tilespmem:s26+$0xFFFFFF30];
	v2 =	vadd.f32 v2, v4  }
0xb5: {  	v32 =	vld [tilespmem:s26+$0xFFFFFF40];
	v1 =	vadd.f32 v1, v3  }
0xb6: {  	v33 =	vld [tilespmem:s26+$0xFFFFFF50];
	v2 =	vadd.f32 v5, v2  }
0xb7: {  	v34 =	vld [tilespmem:s26+$0xFFFFFF60];
	v1 =	vadd.f32 v6, v1  }
0xb8: {  	v35 =	vld [tilespmem:s26+$0xFFFFFF70];
	v2 =	vadd.f32 v7, v2  }
0xb9: {  	v36 =	vld [tilespmem:s26+$0xFFFFFF80];
	v1 =	vadd.f32 v31, v1  }
0xba: {  	v37 =	vld [tilespmem:s26+$0xFFFFFF90];
	v2 =	vadd.f32 v32, v2  }
0xbb: {  	v38 =	vld [tilespmem:s26+$0xFFFFFFA0];
	v1 =	vadd.f32 v33, v1  }
0xbc: {  	v39 =	vld [tilespmem:s26+$0xFFFFFFB0];
	v2 =	vadd.f32 v34, v2  }
0xbd: {  	v40 =	vld [tilespmem:s26+$0xFFFFFFC0];
	v1 =	vadd.f32 v35, v1  }
0xbe: {  	v41 =	vld [tilespmem:s26+$0xFFFFFFD0];
	v2 =	vadd.f32 v36, v2  }
0xbf: {  	v42 =	vld [tilespmem:s26+$0xFFFFFFE0];
	v1 =	vadd.f32 v37, v1  }
0xc0: {  	v43 =	vld [tilespmem:s26+$0xFFFFFFF0];
	v2 =	vadd.f32 v38, v2  }
0xc1: {  	v44 =	vld [tilespmem:s26+$0x0];
	v1 =	vadd.f32 v39, v1  }
0xc2: {  	v45 =	vld [tilespmem:s26+$0x10];
	v2 =	vadd.f32 v40, v2  }
0xc3: {  	v46 =	vld [tilespmem:s26+$0x20];
	v1 =	vadd.f32 v41, v1  }
0xc4: {  	v47 =	vld [tilespmem:s26+$0x30];
	v2 =	vadd.f32 v42, v2  }
0xc5: {  	v48 =	vld [tilespmem:s26+$0x40];
	v1 =	vadd.f32 v43, v1  }
0xc6: {  	v49 =	vld [tilespmem:s26+$0x50];
	v2 =	vadd.f32 v44, v2  }
0xc7: {  	v50 =	vld [tilespmem:s26+$0x60];
	v1 =	vadd.f32 v45, v1  }
0xc8: {  	v51 =	vld [tilespmem:s26+$0x70];
	v2 =	vadd.f32 v46, v2  }
0xc9: {  	v52 =	vld [tilespmem:s26+$0x80];
	v1 =	vadd.f32 v47, v1  }
0xca: {  	v53 =	vld [tilespmem:s26+$0x90];
	v2 =	vadd.f32 v48, v2  }
0xcb: {  	v54 =	vld [tilespmem:s26+$0xA0];
	v1 =	vadd.f32 v49, v1  }
0xcc: {  	v55 =	vld [tilespmem:s26+$0xB0];
	v2 =	vadd.f32 v50, v2  }
0xcd: {  	v56 =	vld [tilespmem:s26+$0xC0];
	v1 =	vadd.f32 v51, v1  }
0xce: {  	v57 =	vld [tilespmem:s26+$0xD0];
	v2 =	vadd.f32 v52, v2  }
0xcf: {  	v58 =	vld [tilespmem:s26+$0xE0];
	v1 =	vadd.f32 v53, v1  }
0xd0: {  	v59 =	vld [tilespmem:s26+$0xF0];
	v2 =	vadd.f32 v54, v2  }
0xd1: {  	v60 =	vld [tilespmem:s26+$0x100];
	v1 =	vadd.f32 v55, v1  }
0xd2: {  	v61 =	vld [tilespmem:s26+$0x110];
	v2 =	vadd.f32 v56, v2  }
0xd3: {  	v62 =	vld [tilespmem:s26+$0x120];
	v1 =	vadd.f32 v57, v1  }
0xd4: {  	v63 =	vld [tilespmem:s26+$0x130];
	v2 =	vadd.f32 v58, v2  }
0xd5: {  	s24 =	sadd.s32 $0x1, s24;
	v1 =	vadd.f32 v59, v1  }
0xd6: {  	p0 =	sne.s32 s24, $0x4;
	v2 =	vadd.f32 v60, v2  }
.Ltmp1:
0xd7: {  	v1 =	vadd.f32 v61, v1;
	(pc) =	sbr.rel @p0 .LBB2_2-.Ltmp1, $4  }
0xd8: {  	v2 =	vadd.f32 v62, v2  }
0xd9: {  	s25 =	sshra.s32 s25, $0x2;
	v1 =	vadd.f32 v63, v1  }
0xda: {  	[tilespmem:v0+s25+$0x0 ss:$0x1] =	vst.idx.msk $0xffff, v2  }
0xdb: {  	s23 =	sadd.s32 $0x1000, s23;
	[tilespmem:v0+s25+$0x10 ss:$0x1] =	vst.idx.msk $0xffff, v1  }
0xdc: {  	s23 =	simm.s32 $0x0;
	s24 =	rddreg [dreg:$0x3];
	s25 =	simm.s32 $0x14A00  }
0xdd: {  	[hbm4b:s24+s23] =	stream.linear.scatter [tilespmem:s25], [sflag:$0x2], $0x4000, $0x38;
	[tilespmem:$0x18A00] =	vst v63  }
0xde: {  	_ =	swait.ge [sflag:s8], $0x4000  }
0xdf: {  	s28 =	rddreg [dreg:$0x5]  }
0xe0: {  	s29 =	rddreg [dreg:$0x4];
	s24 =	sadd.s32 $0x1, s28  }
0xe1: {  	p0 =	sne.s32 s24, s29  }
.Ltmp2:
0xe2: {  	_ = 	snop;
	(pc) =	sbr.rel @p0 .LBB2_1-.Ltmp2, $3  }
0xe3: {  	_ =	sdelay $0x1  }
0xe4: {  	[sflag:s8] =	ssyncset.done $0x0  }
0xe5: {  	[sflag:s8] =	ssyncadd.s32 $0xFFFFC000  }
0xe6: {  	_ =	sfence.sel $0x180000  }
0xe7: {  	[bflag:$0x0] =	sbarrier.arrive $0xFFFF  }
0xe8: {  	_ =	strace $0x9000004A  }
0xe9: {  	s0 =	stileid.u32;
	[bflag:$0x2] =	sbarrier.arrive $0xFFFF  }
0xea: {  	p0 =	sne.s32 s0, $0x0;
	s0 =	rddreg [dreg:$0x2]  }
0xeb: {  	s0 =	sadd.s32 @!p0 $0x100000, s0  }
0xec: {  	[sflag:s0] =	ssyncadd.tile.s32 @!p0 $0x1;
	_ =	shalt  }
.Lfunc_end2:
_tile_overlayer_lowered:
.L_overlay_start_2:
0xed: {  	(tag) =	ssettag $0x2  }
0xee: {  	s0 =	rddreg [dreg:$0x0];
	s2 =	stileid.u32  }
0xef: {  	s1 =	rddreg [dreg:$0x1];
	p0 =	sne.s32 s2, $0x0  }
0xf0: {  	s3 =	rddreg [dreg:$0x2];
	[bflag:$0x3] =	sbarrier.arrive $0xFFFF;
	s2 =	simm.s32 @!p0 $0x1C02  }
0xf1: {  	[timem:s3], [sflag:s2] =	dma.local @!p0 [hbm:s0], s1  }
0xf2: {  	s0 =	simm.s32 @!p0 $0x2  }
0xf3: {  	_ =	swait.ge @!p0 [sflag:s0], s1  }
0xf4: {  	s1 =	ssub.s32 @!p0 $0x0, s1;
	[sflag:s0] =	ssyncset.done @!p0 $0x0  }
0xf5: {  	[sflag:s0] =	ssyncadd.s32 @!p0 s1  }
0xf6: {  	[bflag:$0x3] =	sbarrier.arrive $0xFFFF  }
0xf7: {  	_ =	shalt  }

</sc_bundles>
